<compile_context>
chip_gen: v7x
topology: tpu7x:2x2x1
jax: 0.10.2.dev20260603
libtpu: 0.0.44.dev20260713+nightly
codegen_flags: <defaults>
</compile_context>

<pallas_src>
import functools

import jax
import jax.numpy as jnp
from jax import lax
from jax.experimental import pallas as pl
from jax.experimental.pallas import tpu as pltpu
from jax.experimental.pallas import tpu_sc as plsc


_NC = 2
_NS = 16
_ZR = 512
_BLKN = 16384


@functools.lru_cache(maxsize=None)
def _make_sc_zero(rows, cols, dtype_name):
    dtype = jnp.dtype(dtype_name)
    nw = _NC * _NS
    rpw = rows // nw
    nz = rpw // _ZR
    mesh = plsc.VectorSubcoreMesh(
        core_axis_name="c", subcore_axis_name="s",
        num_cores=_NC, num_subcores=_NS,
    )

    @functools.partial(
        pl.kernel,
        out_type=jax.ShapeDtypeStruct((2 * rows, cols), dtype),
        mesh=mesh,
        scratch_types=[
            pltpu.VMEM((_ZR, cols), dtype),
            pltpu.SemaphoreType.DMA,
        ],
    )
    def sc_zero(o_hbm, zbuf, zsem):
        wid = lax.axis_index("s") * _NC + lax.axis_index("c")
        base = rows + wid * rpw
        zero16 = jnp.zeros((16,), dtype)

        def zrow(i, carry):
            for j in range(cols // 16):
                zbuf[i, pl.ds(16 * j, 16)] = zero16
            return carry

        lax.fori_loop(0, _ZR, zrow, 0)

        zcopies = [
            pltpu.make_async_copy(
                zbuf,
                o_hbm.at[pl.ds(base + k * _ZR, _ZR), :],
                zsem,
            )
            for k in range(nz)
        ]
        for zc in zcopies:
            zc.start()
        for zc in zcopies:
            zc.wait()

    return sc_zero


def _copy_body(x_ref, z_ref, o_ref):
    del z_ref
    o_ref[...] = x_ref[...]


def kernel(psi):
    rows, cols = psi.shape
    nb = rows // _BLKN

    zb = _make_sc_zero(rows, cols, psi.dtype.name)()

    return pl.pallas_call(
        _copy_body,
        grid=(nb,),
        in_specs=[
            pl.BlockSpec((_BLKN, cols), lambda i: (i, 0)),
            pl.BlockSpec(memory_space=pl.ANY),
        ],
        out_specs=pl.BlockSpec((_BLKN, cols), lambda i: (i, 0)),
        out_shape=jax.ShapeDtypeStruct((2 * rows, cols), psi.dtype),
        input_output_aliases={1: 0},
    )(psi, zb)

# --- scband reference (transcript-rebuilt; emitter-appended) ---
"""Pipeline reference for scband-add-ancilla-88914412962499 (READ-ONLY COPY).

The authoritative reference and input builder live on the scoring server;
editing this copy changes nothing except your own understanding.
"""

import jax, jax.numpy as jnp
import numpy as np

P = 0  # ancilla qubit index from init_kwargs

def split_by_bit_p(N, p):
    # indices of the length-N state vector where qubit p's bit is 0 / 1
    n = int(np.log2(N))
    idx = np.arange(N)
    bit = (idx >> (n - 1 - p)) & 1
    _0 = jnp.asarray(idx[bit == 0], dtype=jnp.int32)
    _1 = jnp.asarray(idx[bit == 1], dtype=jnp.int32)
    return _0, _1

def setup_inputs(seed: int = 0) -> dict:
    key = jax.random.key(seed)
    psi = jax.random.normal(key, (524288, 32), dtype=jnp.float32)
    return {"psi": psi}

def reference(psi):
    # AddAncilla.apply: double the state length, scatter psi into the
    # indices where ancilla bit P is 0, zeros elsewhere.
    N = 2 * psi.shape[0]
    _0, _1 = split_by_bit_p(N, P)
    psi_out = jnp.zeros((N,) + psi.shape[1:], dtype=psi.dtype)
    psi_out = psi_out.at[_0].add(psi)
    return psi_out

if __name__ == "__main__":
    import jax
    _d = setup_inputs()
    print(jax.jit(kernel)(*tuple(_d.values())))

</pallas_src>

<mosaic_0001>
#map = affine_map<(d0, d1) -> (0, 0)>
module attributes {stable_mosaic.version = 14 : i64} {
  func.func @sc_zero(%arg0: i32, %arg1: i32, %arg2: memref<1048576x32xf32, #tpu.memory_space<hbm>>, %arg3: memref<512x32xf32, #tpu.memory_space<vmem>>, %arg4: memref<!tpu.dma_semaphore, #tpu.memory_space<semaphore_mem>>) attributes {dimension_semantics = [#tpu.dimension_semantics<core_parallel>, #tpu.dimension_semantics<subcore_parallel>], iteration_bounds = array<i64: 2, 16>, scalar_prefetch = 0 : i64, scratch_operands = 2 : i64, tpu.core_type = #tpu.core_type<sc_vector_subcore>, window_params = [{transform_indices = #map}]} {
    %mul3A = arith.constant 2 : i32
    %mul3A_0 = arith.muli %arg1, %mul3A : i32
    %add3A = arith.addi %mul3A_0, %arg0 : i32
    %mul3A_1 = arith.constant 16384 : i32
    %mul3A_2 = arith.muli %add3A, %mul3A_1 : i32
    %add3A_3 = arith.constant 524288 : i32
    %add3A_4 = arith.addi %add3A_3, %mul3A_2 : i32
    %broadcast_in_dim3A = arith.constant 0.000000e+00 : f32
    %broadcast_in_dim3A_5 = vector.broadcast %broadcast_in_dim3A : f32 to vector<16xf32>
    %scan3A = arith.constant 0 : i32
    %scan3A_6 = arith.constant 0 : i32
    %scan3A_7 = arith.constant 512 : i32
    %scan3A_8 = arith.addi %scan3A_6, %scan3A_7 : i32
    %scan3A_9 = arith.constant 1 : i32
    scf.for %scan3A_329 = %scan3A_6 to %scan3A_8 step %scan3A_9  : i32 {
      %swap3A = arith.index_cast %scan3A_329 : i32 to index
      %swap3A_330 = arith.constant 0 : index
      %swap3A_331 = tpu.vector_load %arg3[%swap3A, %swap3A_330] {strides = array<i32>} : memref<512x32xf32, #tpu.memory_space<vmem>>, vector<1x16xf32>,
      %swap3A_332 = vector.shape_cast %swap3A_331 : vector<1x16xf32> to vector<16xf32>
      %swap3A_333 = vector.shape_cast %broadcast_in_dim3A_5 : vector<16xf32> to vector<1x16xf32>
      tpu.vector_store %arg3[%swap3A, %swap3A_330], %swap3A_333 {strides = array<i32>} : memref<512x32xf32, #tpu.memory_space<vmem>>, vector<1x16xf32>,
      %swap3A_334 = arith.index_cast %scan3A_329 : i32 to index
      %swap3A_335 = arith.constant 16 : index
      %swap3A_336 = tpu.vector_load %arg3[%swap3A_334, %swap3A_335] {strides = array<i32>} : memref<512x32xf32, #tpu.memory_space<vmem>>, vector<1x16xf32>,
      %swap3A_337 = vector.shape_cast %swap3A_336 : vector<1x16xf32> to vector<16xf32>
      %swap3A_338 = vector.shape_cast %broadcast_in_dim3A_5 : vector<16xf32> to vector<1x16xf32>
      tpu.vector_store %arg3[%swap3A_334, %swap3A_335], %swap3A_338 {strides = array<i32>} : memref<512x32xf32, #tpu.memory_space<vmem>>, vector<1x16xf32>,
    }
    %scan3A_10 = arith.constant 512 : i32
    %add3A_11 = arith.constant 0 : i32
    %add3A_12 = arith.addi %add3A_4, %add3A_11 : i32
    %add3A_13 = arith.constant 512 : i32
    %add3A_14 = arith.addi %add3A_4, %add3A_13 : i32
    %add3A_15 = arith.constant 1024 : i32
    %add3A_16 = arith.addi %add3A_4, %add3A_15 : i32
    %add3A_17 = arith.constant 1536 : i32
    %add3A_18 = arith.addi %add3A_4, %add3A_17 : i32
    %add3A_19 = arith.constant 2048 : i32
    %add3A_20 = arith.addi %add3A_4, %add3A_19 : i32
    %add3A_21 = arith.constant 2560 : i32
    %add3A_22 = arith.addi %add3A_4, %add3A_21 : i32
    %add3A_23 = arith.constant 3072 : i32
    %add3A_24 = arith.addi %add3A_4, %add3A_23 : i32
    %add3A_25 = arith.constant 3584 : i32
    %add3A_26 = arith.addi %add3A_4, %add3A_25 : i32
    %add3A_27 = arith.constant 4096 : i32
    %add3A_28 = arith.addi %add3A_4, %add3A_27 : i32
    %add3A_29 = arith.constant 4608 : i32
    %add3A_30 = arith.addi %add3A_4, %add3A_29 : i32
    %add3A_31 = arith.constant 5120 : i32
    %add3A_32 = arith.addi %add3A_4, %add3A_31 : i32
    %add3A_33 = arith.constant 5632 : i32
    %add3A_34 = arith.addi %add3A_4, %add3A_33 : i32
    %add3A_35 = arith.constant 6144 : i32
    %add3A_36 = arith.addi %add3A_4, %add3A_35 : i32
    %add3A_37 = arith.constant 6656 : i32
    %add3A_38 = arith.addi %add3A_4, %add3A_37 : i32
    %add3A_39 = arith.constant 7168 : i32
    %add3A_40 = arith.addi %add3A_4, %add3A_39 : i32
    %add3A_41 = arith.constant 7680 : i32
    %add3A_42 = arith.addi %add3A_4, %add3A_41 : i32
    %add3A_43 = arith.constant 8192 : i32
    %add3A_44 = arith.addi %add3A_4, %add3A_43 : i32
    %add3A_45 = arith.constant 8704 : i32
    %add3A_46 = arith.addi %add3A_4, %add3A_45 : i32
    %add3A_47 = arith.constant 9216 : i32
    %add3A_48 = arith.addi %add3A_4, %add3A_47 : i32
    %add3A_49 = arith.constant 9728 : i32
    %add3A_50 = arith.addi %add3A_4, %add3A_49 : i32
    %add3A_51 = arith.constant 10240 : i32
    %add3A_52 = arith.addi %add3A_4, %add3A_51 : i32
    %add3A_53 = arith.constant 10752 : i32
    %add3A_54 = arith.addi %add3A_4, %add3A_53 : i32
    %add3A_55 = arith.constant 11264 : i32
    %add3A_56 = arith.addi %add3A_4, %add3A_55 : i32
    %add3A_57 = arith.constant 11776 : i32
    %add3A_58 = arith.addi %add3A_4, %add3A_57 : i32
    %add3A_59 = arith.constant 12288 : i32
    %add3A_60 = arith.addi %add3A_4, %add3A_59 : i32
    %add3A_61 = arith.constant 12800 : i32
    %add3A_62 = arith.addi %add3A_4, %add3A_61 : i32
    %add3A_63 = arith.constant 13312 : i32
    %add3A_64 = arith.addi %add3A_4, %add3A_63 : i32
    %add3A_65 = arith.constant 13824 : i32
    %add3A_66 = arith.addi %add3A_4, %add3A_65 : i32
    %add3A_67 = arith.constant 14336 : i32
    %add3A_68 = arith.addi %add3A_4, %add3A_67 : i32
    %add3A_69 = arith.constant 14848 : i32
    %add3A_70 = arith.addi %add3A_4, %add3A_69 : i32
    %add3A_71 = arith.constant 15360 : i32
    %add3A_72 = arith.addi %add3A_4, %add3A_71 : i32
    %add3A_73 = arith.constant 15872 : i32
    %add3A_74 = arith.addi %add3A_4, %add3A_73 : i32
    %dma_start3A = arith.constant 0 : i32
    %dma_start3A_75 = tpu.memref_slice %arg2[%add3A_12, %dma_start3A] : memref<1048576x32xf32, #tpu.memory_space<hbm>> -> memref<512x32xf32, #tpu.memory_space<hbm>>
    %dma_start3A_76 = arith.constant 0 : i32
    %dma_start3A_77 = tpu.memref_slice %arg2[%add3A_12, %dma_start3A_76] : memref<1048576x32xf32, #tpu.memory_space<hbm>> -> memref<512x32xf32, #tpu.memory_space<hbm>>
    tpu.enqueue_dma source(%arg3 : memref<512x32xf32, #tpu.memory_space<vmem>>) target(%dma_start3A_77 : memref<512x32xf32, #tpu.memory_space<hbm>>) target_semaphore(%arg4 : memref<!tpu.dma_semaphore, #tpu.memory_space<semaphore_mem>>)
    %dma_start3A_78 = arith.constant 0 : i32
    %dma_start3A_79 = tpu.memref_slice %arg2[%add3A_14, %dma_start3A_78] : memref<1048576x32xf32, #tpu.memory_space<hbm>> -> memref<512x32xf32, #tpu.memory_space<hbm>>
    %dma_start3A_80 = arith.constant 0 : i32
    %dma_start3A_81 = tpu.memref_slice %arg2[%add3A_14, %dma_start3A_80] : memref<1048576x32xf32, #tpu.memory_space<hbm>> -> memref<512x32xf32, #tpu.memory_space<hbm>>
    tpu.enqueue_dma source(%arg3 : memref<512x32xf32, #tpu.memory_space<vmem>>) target(%dma_start3A_81 : memref<512x32xf32, #tpu.memory_space<hbm>>) target_semaphore(%arg4 : memref<!tpu.dma_semaphore, #tpu.memory_space<semaphore_mem>>)
    %dma_start3A_82 = arith.constant 0 : i32
    %dma_start3A_83 = tpu.memref_slice %arg2[%add3A_16, %dma_start3A_82] : memref<1048576x32xf32, #tpu.memory_space<hbm>> -> memref<512x32xf32, #tpu.memory_space<hbm>>
    %dma_start3A_84 = arith.constant 0 : i32
    %dma_start3A_85 = tpu.memref_slice %arg2[%add3A_16, %dma_start3A_84] : memref<1048576x32xf32, #tpu.memory_space<hbm>> -> memref<512x32xf32, #tpu.memory_space<hbm>>
    tpu.enqueue_dma source(%arg3 : memref<512x32xf32, #tpu.memory_space<vmem>>) target(%dma_start3A_85 : memref<512x32xf32, #tpu.memory_space<hbm>>) target_semaphore(%arg4 : memref<!tpu.dma_semaphore, #tpu.memory_space<semaphore_mem>>)
    %dma_start3A_86 = arith.constant 0 : i32
    %dma_start3A_87 = tpu.memref_slice %arg2[%add3A_18, %dma_start3A_86] : memref<1048576x32xf32, #tpu.memory_space<hbm>> -> memref<512x32xf32, #tpu.memory_space<hbm>>
    %dma_start3A_88 = arith.constant 0 : i32
    %dma_start3A_89 = tpu.memref_slice %arg2[%add3A_18, %dma_start3A_88] : memref<1048576x32xf32, #tpu.memory_space<hbm>> -> memref<512x32xf32, #tpu.memory_space<hbm>>
    tpu.enqueue_dma source(%arg3 : memref<512x32xf32, #tpu.memory_space<vmem>>) target(%dma_start3A_89 : memref<512x32xf32, #tpu.memory_space<hbm>>) target_semaphore(%arg4 : memref<!tpu.dma_semaphore, #tpu.memory_space<semaphore_mem>>)
    %dma_start3A_90 = arith.constant 0 : i32
    %dma_start3A_91 = tpu.memref_slice %arg2[%add3A_20, %dma_start3A_90] : memref<1048576x32xf32, #tpu.memory_space<hbm>> -> memref<512x32xf32, #tpu.memory_space<hbm>>
    %dma_start3A_92 = arith.constant 0 : i32
    %dma_start3A_93 = tpu.memref_slice %arg2[%add3A_20, %dma_start3A_92] : memref<1048576x32xf32, #tpu.memory_space<hbm>> -> memref<512x32xf32, #tpu.memory_space<hbm>>
    tpu.enqueue_dma source(%arg3 : memref<512x32xf32, #tpu.memory_space<vmem>>) target(%dma_start3A_93 : memref<512x32xf32, #tpu.memory_space<hbm>>) target_semaphore(%arg4 : memref<!tpu.dma_semaphore, #tpu.memory_space<semaphore_mem>>)
    %dma_start3A_94 = arith.constant 0 : i32
    %dma_start3A_95 = tpu.memref_slice %arg2[%add3A_22, %dma_start3A_94] : memref<1048576x32xf32, #tpu.memory_space<hbm>> -> memref<512x32xf32, #tpu.memory_space<hbm>>
    %dma_start3A_96 = arith.constant 0 : i32
    %dma_start3A_97 = tpu.memref_slice %arg2[%add3A_22, %dma_start3A_96] : memref<1048576x32xf32, #tpu.memory_space<hbm>> -> memref<512x32xf32, #tpu.memory_space<hbm>>
    tpu.enqueue_dma source(%arg3 : memref<512x32xf32, #tpu.memory_space<vmem>>) target(%dma_start3A_97 : memref<512x32xf32, #tpu.memory_space<hbm>>) target_semaphore(%arg4 : memref<!tpu.dma_semaphore, #tpu.memory_space<semaphore_mem>>)
    %dma_start3A_98 = arith.constant 0 : i32
    %dma_start3A_99 = tpu.memref_slice %arg2[%add3A_24, %dma_start3A_98] : memref<1048576x32xf32, #tpu.memory_space<hbm>> -> memref<512x32xf32, #tpu.memory_space<hbm>>
    %dma_start3A_100 = arith.constant 0 : i32
    %dma_start3A_101 = tpu.memref_slice %arg2[%add3A_24, %dma_start3A_100] : memref<1048576x32xf32, #tpu.memory_space<hbm>> -> memref<512x32xf32, #tpu.memory_space<hbm>>
    tpu.enqueue_dma source(%arg3 : memref<512x32xf32, #tpu.memory_space<vmem>>) target(%dma_start3A_101 : memref<512x32xf32, #tpu.memory_space<hbm>>) target_semaphore(%arg4 : memref<!tpu.dma_semaphore, #tpu.memory_space<semaphore_mem>>)
    %dma_start3A_102 = arith.constant 0 : i32
    %dma_start3A_103 = tpu.memref_slice %arg2[%add3A_26, %dma_start3A_102] : memref<1048576x32xf32, #tpu.memory_space<hbm>> -> memref<512x32xf32, #tpu.memory_space<hbm>>
    %dma_start3A_104 = arith.constant 0 : i32
    %dma_start3A_105 = tpu.memref_slice %arg2[%add3A_26, %dma_start3A_104] : memref<1048576x32xf32, #tpu.memory_space<hbm>> -> memref<512x32xf32, #tpu.memory_space<hbm>>
    tpu.enqueue_dma source(%arg3 : memref<512x32xf32, #tpu.memory_space<vmem>>) target(%dma_start3A_105 : memref<512x32xf32, #tpu.memory_space<hbm>>) target_semaphore(%arg4 : memref<!tpu.dma_semaphore, #tpu.memory_space<semaphore_mem>>)
    %dma_start3A_106 = arith.constant 0 : i32
    %dma_start3A_107 = tpu.memref_slice %arg2[%add3A_28, %dma_start3A_106] : memref<1048576x32xf32, #tpu.memory_space<hbm>> -> memref<512x32xf32, #tpu.memory_space<hbm>>
    %dma_start3A_108 = arith.constant 0 : i32
    %dma_start3A_109 = tpu.memref_slice %arg2[%add3A_28, %dma_start3A_108] : memref<1048576x32xf32, #tpu.memory_space<hbm>> -> memref<512x32xf32, #tpu.memory_space<hbm>>
    tpu.enqueue_dma source(%arg3 : memref<512x32xf32, #tpu.memory_space<vmem>>) target(%dma_start3A_109 : memref<512x32xf32, #tpu.memory_space<hbm>>) target_semaphore(%arg4 : memref<!tpu.dma_semaphore, #tpu.memory_space<semaphore_mem>>)
    %dma_start3A_110 = arith.constant 0 : i32
    %dma_start3A_111 = tpu.memref_slice %arg2[%add3A_30, %dma_start3A_110] : memref<1048576x32xf32, #tpu.memory_space<hbm>> -> memref<512x32xf32, #tpu.memory_space<hbm>>
    %dma_start3A_112 = arith.constant 0 : i32
    %dma_start3A_113 = tpu.memref_slice %arg2[%add3A_30, %dma_start3A_112] : memref<1048576x32xf32, #tpu.memory_space<hbm>> -> memref<512x32xf32, #tpu.memory_space<hbm>>
    tpu.enqueue_dma source(%arg3 : memref<512x32xf32, #tpu.memory_space<vmem>>) target(%dma_start3A_113 : memref<512x32xf32, #tpu.memory_space<hbm>>) target_semaphore(%arg4 : memref<!tpu.dma_semaphore, #tpu.memory_space<semaphore_mem>>)
    %dma_start3A_114 = arith.constant 0 : i32
    %dma_start3A_115 = tpu.memref_slice %arg2[%add3A_32, %dma_start3A_114] : memref<1048576x32xf32, #tpu.memory_space<hbm>> -> memref<512x32xf32, #tpu.memory_space<hbm>>
    %dma_start3A_116 = arith.constant 0 : i32
    %dma_start3A_117 = tpu.memref_slice %arg2[%add3A_32, %dma_start3A_116] : memref<1048576x32xf32, #tpu.memory_space<hbm>> -> memref<512x32xf32, #tpu.memory_space<hbm>>
    tpu.enqueue_dma source(%arg3 : memref<512x32xf32, #tpu.memory_space<vmem>>) target(%dma_start3A_117 : memref<512x32xf32, #tpu.memory_space<hbm>>) target_semaphore(%arg4 : memref<!tpu.dma_semaphore, #tpu.memory_space<semaphore_mem>>)
    %dma_start3A_118 = arith.constant 0 : i32
    %dma_start3A_119 = tpu.memref_slice %arg2[%add3A_34, %dma_start3A_118] : memref<1048576x32xf32, #tpu.memory_space<hbm>> -> memref<512x32xf32, #tpu.memory_space<hbm>>
    %dma_start3A_120 = arith.constant 0 : i32
    %dma_start3A_121 = tpu.memref_slice %arg2[%add3A_34, %dma_start3A_120] : memref<1048576x32xf32, #tpu.memory_space<hbm>> -> memref<512x32xf32, #tpu.memory_space<hbm>>
    tpu.enqueue_dma source(%arg3 : memref<512x32xf32, #tpu.memory_space<vmem>>) target(%dma_start3A_121 : memref<512x32xf32, #tpu.memory_space<hbm>>) target_semaphore(%arg4 : memref<!tpu.dma_semaphore, #tpu.memory_space<semaphore_mem>>)
    %dma_start3A_122 = arith.constant 0 : i32
    %dma_start3A_123 = tpu.memref_slice %arg2[%add3A_36, %dma_start3A_122] : memref<1048576x32xf32, #tpu.memory_space<hbm>> -> memref<512x32xf32, #tpu.memory_space<hbm>>
    %dma_start3A_124 = arith.constant 0 : i32
    %dma_start3A_125 = tpu.memref_slice %arg2[%add3A_36, %dma_start3A_124] : memref<1048576x32xf32, #tpu.memory_space<hbm>> -> memref<512x32xf32, #tpu.memory_space<hbm>>
    tpu.enqueue_dma source(%arg3 : memref<512x32xf32, #tpu.memory_space<vmem>>) target(%dma_start3A_125 : memref<512x32xf32, #tpu.memory_space<hbm>>) target_semaphore(%arg4 : memref<!tpu.dma_semaphore, #tpu.memory_space<semaphore_mem>>)
    %dma_start3A_126 = arith.constant 0 : i32
    %dma_start3A_127 = tpu.memref_slice %arg2[%add3A_38, %dma_start3A_126] : memref<1048576x32xf32, #tpu.memory_space<hbm>> -> memref<512x32xf32, #tpu.memory_space<hbm>>
    %dma_start3A_128 = arith.constant 0 : i32
    %dma_start3A_129 = tpu.memref_slice %arg2[%add3A_38, %dma_start3A_128] : memref<1048576x32xf32, #tpu.memory_space<hbm>> -> memref<512x32xf32, #tpu.memory_space<hbm>>
    tpu.enqueue_dma source(%arg3 : memref<512x32xf32, #tpu.memory_space<vmem>>) target(%dma_start3A_129 : memref<512x32xf32, #tpu.memory_space<hbm>>) target_semaphore(%arg4 : memref<!tpu.dma_semaphore, #tpu.memory_space<semaphore_mem>>)
    %dma_start3A_130 = arith.constant 0 : i32
    %dma_start3A_131 = tpu.memref_slice %arg2[%add3A_40, %dma_start3A_130] : memref<1048576x32xf32, #tpu.memory_space<hbm>> -> memref<512x32xf32, #tpu.memory_space<hbm>>
    %dma_start3A_132 = arith.constant 0 : i32
    %dma_start3A_133 = tpu.memref_slice %arg2[%add3A_40, %dma_start3A_132] : memref<1048576x32xf32, #tpu.memory_space<hbm>> -> memref<512x32xf32, #tpu.memory_space<hbm>>
    tpu.enqueue_dma source(%arg3 : memref<512x32xf32, #tpu.memory_space<vmem>>) target(%dma_start3A_133 : memref<512x32xf32, #tpu.memory_space<hbm>>) target_semaphore(%arg4 : memref<!tpu.dma_semaphore, #tpu.memory_space<semaphore_mem>>)
    %dma_start3A_134 = arith.constant 0 : i32
    %dma_start3A_135 = tpu.memref_slice %arg2[%add3A_42, %dma_start3A_134] : memref<1048576x32xf32, #tpu.memory_space<hbm>> -> memref<512x32xf32, #tpu.memory_space<hbm>>
    %dma_start3A_136 = arith.constant 0 : i32
    %dma_start3A_137 = tpu.memref_slice %arg2[%add3A_42, %dma_start3A_136] : memref<1048576x32xf32, #tpu.memory_space<hbm>> -> memref<512x32xf32, #tpu.memory_space<hbm>>
    tpu.enqueue_dma source(%arg3 : memref<512x32xf32, #tpu.memory_space<vmem>>) target(%dma_start3A_137 : memref<512x32xf32, #tpu.memory_space<hbm>>) target_semaphore(%arg4 : memref<!tpu.dma_semaphore, #tpu.memory_space<semaphore_mem>>)
    %dma_start3A_138 = arith.constant 0 : i32
    %dma_start3A_139 = tpu.memref_slice %arg2[%add3A_44, %dma_start3A_138] : memref<1048576x32xf32, #tpu.memory_space<hbm>> -> memref<512x32xf32, #tpu.memory_space<hbm>>
    %dma_start3A_140 = arith.constant 0 : i32
    %dma_start3A_141 = tpu.memref_slice %arg2[%add3A_44, %dma_start3A_140] : memref<1048576x32xf32, #tpu.memory_space<hbm>> -> memref<512x32xf32, #tpu.memory_space<hbm>>
    tpu.enqueue_dma source(%arg3 : memref<512x32xf32, #tpu.memory_space<vmem>>) target(%dma_start3A_141 : memref<512x32xf32, #tpu.memory_space<hbm>>) target_semaphore(%arg4 : memref<!tpu.dma_semaphore, #tpu.memory_space<semaphore_mem>>)
    %dma_start3A_142 = arith.constant 0 : i32
    %dma_start3A_143 = tpu.memref_slice %arg2[%add3A_46, %dma_start3A_142] : memref<1048576x32xf32, #tpu.memory_space<hbm>> -> memref<512x32xf32, #tpu.memory_space<hbm>>
    %dma_start3A_144 = arith.constant 0 : i32
    %dma_start3A_145 = tpu.memref_slice %arg2[%add3A_46, %dma_start3A_144] : memref<1048576x32xf32, #tpu.memory_space<hbm>> -> memref<512x32xf32, #tpu.memory_space<hbm>>
    tpu.enqueue_dma source(%arg3 : memref<512x32xf32, #tpu.memory_space<vmem>>) target(%dma_start3A_145 : memref<512x32xf32, #tpu.memory_space<hbm>>) target_semaphore(%arg4 : memref<!tpu.dma_semaphore, #tpu.memory_space<semaphore_mem>>)
    %dma_start3A_146 = arith.constant 0 : i32
    %dma_start3A_147 = tpu.memref_slice %arg2[%add3A_48, %dma_start3A_146] : memref<1048576x32xf32, #tpu.memory_space<hbm>> -> memref<512x32xf32, #tpu.memory_space<hbm>>
    %dma_start3A_148 = arith.constant 0 : i32
    %dma_start3A_149 = tpu.memref_slice %arg2[%add3A_48, %dma_start3A_148] : memref<1048576x32xf32, #tpu.memory_space<hbm>> -> memref<512x32xf32, #tpu.memory_space<hbm>>
    tpu.enqueue_dma source(%arg3 : memref<512x32xf32, #tpu.memory_space<vmem>>) target(%dma_start3A_149 : memref<512x32xf32, #tpu.memory_space<hbm>>) target_semaphore(%arg4 : memref<!tpu.dma_semaphore, #tpu.memory_space<semaphore_mem>>)
    %dma_start3A_150 = arith.constant 0 : i32
    %dma_start3A_151 = tpu.memref_slice %arg2[%add3A_50, %dma_start3A_150] : memref<1048576x32xf32, #tpu.memory_space<hbm>> -> memref<512x32xf32, #tpu.memory_space<hbm>>
    %dma_start3A_152 = arith.constant 0 : i32
    %dma_start3A_153 = tpu.memref_slice %arg2[%add3A_50, %dma_start3A_152] : memref<1048576x32xf32, #tpu.memory_space<hbm>> -> memref<512x32xf32, #tpu.memory_space<hbm>>
    tpu.enqueue_dma source(%arg3 : memref<512x32xf32, #tpu.memory_space<vmem>>) target(%dma_start3A_153 : memref<512x32xf32, #tpu.memory_space<hbm>>) target_semaphore(%arg4 : memref<!tpu.dma_semaphore, #tpu.memory_space<semaphore_mem>>)
    %dma_start3A_154 = arith.constant 0 : i32
    %dma_start3A_155 = tpu.memref_slice %arg2[%add3A_52, %dma_start3A_154] : memref<1048576x32xf32, #tpu.memory_space<hbm>> -> memref<512x32xf32, #tpu.memory_space<hbm>>
    %dma_start3A_156 = arith.constant 0 : i32
    %dma_start3A_157 = tpu.memref_slice %arg2[%add3A_52, %dma_start3A_156] : memref<1048576x32xf32, #tpu.memory_space<hbm>> -> memref<512x32xf32, #tpu.memory_space<hbm>>
    tpu.enqueue_dma source(%arg3 : memref<512x32xf32, #tpu.memory_space<vmem>>) target(%dma_start3A_157 : memref<512x32xf32, #tpu.memory_space<hbm>>) target_semaphore(%arg4 : memref<!tpu.dma_semaphore, #tpu.memory_space<semaphore_mem>>)
    %dma_start3A_158 = arith.constant 0 : i32
    %dma_start3A_159 = tpu.memref_slice %arg2[%add3A_54, %dma_start3A_158] : memref<1048576x32xf32, #tpu.memory_space<hbm>> -> memref<512x32xf32, #tpu.memory_space<hbm>>
    %dma_start3A_160 = arith.constant 0 : i32
    %dma_start3A_161 = tpu.memref_slice %arg2[%add3A_54, %dma_start3A_160] : memref<1048576x32xf32, #tpu.memory_space<hbm>> -> memref<512x32xf32, #tpu.memory_space<hbm>>
    tpu.enqueue_dma source(%arg3 : memref<512x32xf32, #tpu.memory_space<vmem>>) target(%dma_start3A_161 : memref<512x32xf32, #tpu.memory_space<hbm>>) target_semaphore(%arg4 : memref<!tpu.dma_semaphore, #tpu.memory_space<semaphore_mem>>)
    %dma_start3A_162 = arith.constant 0 : i32
    %dma_start3A_163 = tpu.memref_slice %arg2[%add3A_56, %dma_start3A_162] : memref<1048576x32xf32, #tpu.memory_space<hbm>> -> memref<512x32xf32, #tpu.memory_space<hbm>>
    %dma_start3A_164 = arith.constant 0 : i32
    %dma_start3A_165 = tpu.memref_slice %arg2[%add3A_56, %dma_start3A_164] : memref<1048576x32xf32, #tpu.memory_space<hbm>> -> memref<512x32xf32, #tpu.memory_space<hbm>>
    tpu.enqueue_dma source(%arg3 : memref<512x32xf32, #tpu.memory_space<vmem>>) target(%dma_start3A_165 : memref<512x32xf32, #tpu.memory_space<hbm>>) target_semaphore(%arg4 : memref<!tpu.dma_semaphore, #tpu.memory_space<semaphore_mem>>)
    %dma_start3A_166 = arith.constant 0 : i32
    %dma_start3A_167 = tpu.memref_slice %arg2[%add3A_58, %dma_start3A_166] : memref<1048576x32xf32, #tpu.memory_space<hbm>> -> memref<512x32xf32, #tpu.memory_space<hbm>>
    %dma_start3A_168 = arith.constant 0 : i32
    %dma_start3A_169 = tpu.memref_slice %arg2[%add3A_58, %dma_start3A_168] : memref<1048576x32xf32, #tpu.memory_space<hbm>> -> memref<512x32xf32, #tpu.memory_space<hbm>>
    tpu.enqueue_dma source(%arg3 : memref<512x32xf32, #tpu.memory_space<vmem>>) target(%dma_start3A_169 : memref<512x32xf32, #tpu.memory_space<hbm>>) target_semaphore(%arg4 : memref<!tpu.dma_semaphore, #tpu.memory_space<semaphore_mem>>)
    %dma_start3A_170 = arith.constant 0 : i32
    %dma_start3A_171 = tpu.memref_slice %arg2[%add3A_60, %dma_start3A_170] : memref<1048576x32xf32, #tpu.memory_space<hbm>> -> memref<512x32xf32, #tpu.memory_space<hbm>>
    %dma_start3A_172 = arith.constant 0 : i32
    %dma_start3A_173 = tpu.memref_slice %arg2[%add3A_60, %dma_start3A_172] : memref<1048576x32xf32, #tpu.memory_space<hbm>> -> memref<512x32xf32, #tpu.memory_space<hbm>>
    tpu.enqueue_dma source(%arg3 : memref<512x32xf32, #tpu.memory_space<vmem>>) target(%dma_start3A_173 : memref<512x32xf32, #tpu.memory_space<hbm>>) target_semaphore(%arg4 : memref<!tpu.dma_semaphore, #tpu.memory_space<semaphore_mem>>)
    %dma_start3A_174 = arith.constant 0 : i32
    %dma_start3A_175 = tpu.memref_slice %arg2[%add3A_62, %dma_start3A_174] : memref<1048576x32xf32, #tpu.memory_space<hbm>> -> memref<512x32xf32, #tpu.memory_space<hbm>>
    %dma_start3A_176 = arith.constant 0 : i32
    %dma_start3A_177 = tpu.memref_slice %arg2[%add3A_62, %dma_start3A_176] : memref<1048576x32xf32, #tpu.memory_space<hbm>> -> memref<512x32xf32, #tpu.memory_space<hbm>>
    tpu.enqueue_dma source(%arg3 : memref<512x32xf32, #tpu.memory_space<vmem>>) target(%dma_start3A_177 : memref<512x32xf32, #tpu.memory_space<hbm>>) target_semaphore(%arg4 : memref<!tpu.dma_semaphore, #tpu.memory_space<semaphore_mem>>)
    %dma_start3A_178 = arith.constant 0 : i32
    %dma_start3A_179 = tpu.memref_slice %arg2[%add3A_64, %dma_start3A_178] : memref<1048576x32xf32, #tpu.memory_space<hbm>> -> memref<512x32xf32, #tpu.memory_space<hbm>>
    %dma_start3A_180 = arith.constant 0 : i32
    %dma_start3A_181 = tpu.memref_slice %arg2[%add3A_64, %dma_start3A_180] : memref<1048576x32xf32, #tpu.memory_space<hbm>> -> memref<512x32xf32, #tpu.memory_space<hbm>>
    tpu.enqueue_dma source(%arg3 : memref<512x32xf32, #tpu.memory_space<vmem>>) target(%dma_start3A_181 : memref<512x32xf32, #tpu.memory_space<hbm>>) target_semaphore(%arg4 : memref<!tpu.dma_semaphore, #tpu.memory_space<semaphore_mem>>)
    %dma_start3A_182 = arith.constant 0 : i32
    %dma_start3A_183 = tpu.memref_slice %arg2[%add3A_66, %dma_start3A_182] : memref<1048576x32xf32, #tpu.memory_space<hbm>> -> memref<512x32xf32, #tpu.memory_space<hbm>>
    %dma_start3A_184 = arith.constant 0 : i32
    %dma_start3A_185 = tpu.memref_slice %arg2[%add3A_66, %dma_start3A_184] : memref<1048576x32xf32, #tpu.memory_space<hbm>> -> memref<512x32xf32, #tpu.memory_space<hbm>>
    tpu.enqueue_dma source(%arg3 : memref<512x32xf32, #tpu.memory_space<vmem>>) target(%dma_start3A_185 : memref<512x32xf32, #tpu.memory_space<hbm>>) target_semaphore(%arg4 : memref<!tpu.dma_semaphore, #tpu.memory_space<semaphore_mem>>)
    %dma_start3A_186 = arith.constant 0 : i32
    %dma_start3A_187 = tpu.memref_slice %arg2[%add3A_68, %dma_start3A_186] : memref<1048576x32xf32, #tpu.memory_space<hbm>> -> memref<512x32xf32, #tpu.memory_space<hbm>>
    %dma_start3A_188 = arith.constant 0 : i32
    %dma_start3A_189 = tpu.memref_slice %arg2[%add3A_68, %dma_start3A_188] : memref<1048576x32xf32, #tpu.memory_space<hbm>> -> memref<512x32xf32, #tpu.memory_space<hbm>>
    tpu.enqueue_dma source(%arg3 : memref<512x32xf32, #tpu.memory_space<vmem>>) target(%dma_start3A_189 : memref<512x32xf32, #tpu.memory_space<hbm>>) target_semaphore(%arg4 : memref<!tpu.dma_semaphore, #tpu.memory_space<semaphore_mem>>)
    %dma_start3A_190 = arith.constant 0 : i32
    %dma_start3A_191 = tpu.memref_slice %arg2[%add3A_70, %dma_start3A_190] : memref<1048576x32xf32, #tpu.memory_space<hbm>> -> memref<512x32xf32, #tpu.memory_space<hbm>>
    %dma_start3A_192 = arith.constant 0 : i32
    %dma_start3A_193 = tpu.memref_slice %arg2[%add3A_70, %dma_start3A_192] : memref<1048576x32xf32, #tpu.memory_space<hbm>> -> memref<512x32xf32, #tpu.memory_space<hbm>>
    tpu.enqueue_dma source(%arg3 : memref<512x32xf32, #tpu.memory_space<vmem>>) target(%dma_start3A_193 : memref<512x32xf32, #tpu.memory_space<hbm>>) target_semaphore(%arg4 : memref<!tpu.dma_semaphore, #tpu.memory_space<semaphore_mem>>)
    %dma_start3A_194 = arith.constant 0 : i32
    %dma_start3A_195 = tpu.memref_slice %arg2[%add3A_72, %dma_start3A_194] : memref<1048576x32xf32, #tpu.memory_space<hbm>> -> memref<512x32xf32, #tpu.memory_space<hbm>>
    %dma_start3A_196 = arith.constant 0 : i32
    %dma_start3A_197 = tpu.memref_slice %arg2[%add3A_72, %dma_start3A_196] : memref<1048576x32xf32, #tpu.memory_space<hbm>> -> memref<512x32xf32, #tpu.memory_space<hbm>>
    tpu.enqueue_dma source(%arg3 : memref<512x32xf32, #tpu.memory_space<vmem>>) target(%dma_start3A_197 : memref<512x32xf32, #tpu.memory_space<hbm>>) target_semaphore(%arg4 : memref<!tpu.dma_semaphore, #tpu.memory_space<semaphore_mem>>)
    %dma_start3A_198 = arith.constant 0 : i32
    %dma_start3A_199 = tpu.memref_slice %arg2[%add3A_74, %dma_start3A_198] : memref<1048576x32xf32, #tpu.memory_space<hbm>> -> memref<512x32xf32, #tpu.memory_space<hbm>>
    %dma_start3A_200 = arith.constant 0 : i32
    %dma_start3A_201 = tpu.memref_slice %arg2[%add3A_74, %dma_start3A_200] : memref<1048576x32xf32, #tpu.memory_space<hbm>> -> memref<512x32xf32, #tpu.memory_space<hbm>>
    tpu.enqueue_dma source(%arg3 : memref<512x32xf32, #tpu.memory_space<vmem>>) target(%dma_start3A_201 : memref<512x32xf32, #tpu.memory_space<hbm>>) target_semaphore(%arg4 : memref<!tpu.dma_semaphore, #tpu.memory_space<semaphore_mem>>)
    %dma_wait3A = arith.constant 0 : i32
    %dma_wait3A_202 = tpu.memref_slice %arg2[%add3A_12, %dma_wait3A] : memref<1048576x32xf32, #tpu.memory_space<hbm>> -> memref<512x32xf32, #tpu.memory_space<hbm>>
    %dma_wait3A_203 = arith.constant 0 : i32
    %dma_wait3A_204 = tpu.memref_slice %arg2[%add3A_12, %dma_wait3A_203] : memref<1048576x32xf32, #tpu.memory_space<hbm>> -> memref<512x32xf32, #tpu.memory_space<hbm>>
    tpu.wait_dma2 semaphore(%arg4 : memref<!tpu.dma_semaphore, #tpu.memory_space<semaphore_mem>>) src(%arg3 : memref<512x32xf32, #tpu.memory_space<vmem>>) dst(%dma_wait3A_204 : memref<512x32xf32, #tpu.memory_space<hbm>>)
    %dma_wait3A_205 = arith.constant 0 : i32
    %dma_wait3A_206 = tpu.memref_slice %arg2[%add3A_14, %dma_wait3A_205] : memref<1048576x32xf32, #tpu.memory_space<hbm>> -> memref<512x32xf32, #tpu.memory_space<hbm>>
    %dma_wait3A_207 = arith.constant 0 : i32
    %dma_wait3A_208 = tpu.memref_slice %arg2[%add3A_14, %dma_wait3A_207] : memref<1048576x32xf32, #tpu.memory_space<hbm>> -> memref<512x32xf32, #tpu.memory_space<hbm>>
    tpu.wait_dma2 semaphore(%arg4 : memref<!tpu.dma_semaphore, #tpu.memory_space<semaphore_mem>>) src(%arg3 : memref<512x32xf32, #tpu.memory_space<vmem>>) dst(%dma_wait3A_208 : memref<512x32xf32, #tpu.memory_space<hbm>>)
    %dma_wait3A_209 = arith.constant 0 : i32
    %dma_wait3A_210 = tpu.memref_slice %arg2[%add3A_16, %dma_wait3A_209] : memref<1048576x32xf32, #tpu.memory_space<hbm>> -> memref<512x32xf32, #tpu.memory_space<hbm>>
    %dma_wait3A_211 = arith.constant 0 : i32
    %dma_wait3A_212 = tpu.memref_slice %arg2[%add3A_16, %dma_wait3A_211] : memref<1048576x32xf32, #tpu.memory_space<hbm>> -> memref<512x32xf32, #tpu.memory_space<hbm>>
    tpu.wait_dma2 semaphore(%arg4 : memref<!tpu.dma_semaphore, #tpu.memory_space<semaphore_mem>>) src(%arg3 : memref<512x32xf32, #tpu.memory_space<vmem>>) dst(%dma_wait3A_212 : memref<512x32xf32, #tpu.memory_space<hbm>>)
    %dma_wait3A_213 = arith.constant 0 : i32
    %dma_wait3A_214 = tpu.memref_slice %arg2[%add3A_18, %dma_wait3A_213] : memref<1048576x32xf32, #tpu.memory_space<hbm>> -> memref<512x32xf32, #tpu.memory_space<hbm>>
    %dma_wait3A_215 = arith.constant 0 : i32
    %dma_wait3A_216 = tpu.memref_slice %arg2[%add3A_18, %dma_wait3A_215] : memref<1048576x32xf32, #tpu.memory_space<hbm>> -> memref<512x32xf32, #tpu.memory_space<hbm>>
    tpu.wait_dma2 semaphore(%arg4 : memref<!tpu.dma_semaphore, #tpu.memory_space<semaphore_mem>>) src(%arg3 : memref<512x32xf32, #tpu.memory_space<vmem>>) dst(%dma_wait3A_216 : memref<512x32xf32, #tpu.memory_space<hbm>>)
    %dma_wait3A_217 = arith.constant 0 : i32
    %dma_wait3A_218 = tpu.memref_slice %arg2[%add3A_20, %dma_wait3A_217] : memref<1048576x32xf32, #tpu.memory_space<hbm>> -> memref<512x32xf32, #tpu.memory_space<hbm>>
    %dma_wait3A_219 = arith.constant 0 : i32
    %dma_wait3A_220 = tpu.memref_slice %arg2[%add3A_20, %dma_wait3A_219] : memref<1048576x32xf32, #tpu.memory_space<hbm>> -> memref<512x32xf32, #tpu.memory_space<hbm>>
    tpu.wait_dma2 semaphore(%arg4 : memref<!tpu.dma_semaphore, #tpu.memory_space<semaphore_mem>>) src(%arg3 : memref<512x32xf32, #tpu.memory_space<vmem>>) dst(%dma_wait3A_220 : memref<512x32xf32, #tpu.memory_space<hbm>>)
    %dma_wait3A_221 = arith.constant 0 : i32
    %dma_wait3A_222 = tpu.memref_slice %arg2[%add3A_22, %dma_wait3A_221] : memref<1048576x32xf32, #tpu.memory_space<hbm>> -> memref<512x32xf32, #tpu.memory_space<hbm>>
    %dma_wait3A_223 = arith.constant 0 : i32
    %dma_wait3A_224 = tpu.memref_slice %arg2[%add3A_22, %dma_wait3A_223] : memref<1048576x32xf32, #tpu.memory_space<hbm>> -> memref<512x32xf32, #tpu.memory_space<hbm>>
    tpu.wait_dma2 semaphore(%arg4 : memref<!tpu.dma_semaphore, #tpu.memory_space<semaphore_mem>>) src(%arg3 : memref<512x32xf32, #tpu.memory_space<vmem>>) dst(%dma_wait3A_224 : memref<512x32xf32, #tpu.memory_space<hbm>>)
    %dma_wait3A_225 = arith.constant 0 : i32
    %dma_wait3A_226 = tpu.memref_slice %arg2[%add3A_24, %dma_wait3A_225] : memref<1048576x32xf32, #tpu.memory_space<hbm>> -> memref<512x32xf32, #tpu.memory_space<hbm>>
    %dma_wait3A_227 = arith.constant 0 : i32
    %dma_wait3A_228 = tpu.memref_slice %arg2[%add3A_24, %dma_wait3A_227] : memref<1048576x32xf32, #tpu.memory_space<hbm>> -> memref<512x32xf32, #tpu.memory_space<hbm>>
    tpu.wait_dma2 semaphore(%arg4 : memref<!tpu.dma_semaphore, #tpu.memory_space<semaphore_mem>>) src(%arg3 : memref<512x32xf32, #tpu.memory_space<vmem>>) dst(%dma_wait3A_228 : memref<512x32xf32, #tpu.memory_space<hbm>>)
    %dma_wait3A_229 = arith.constant 0 : i32
    %dma_wait3A_230 = tpu.memref_slice %arg2[%add3A_26, %dma_wait3A_229] : memref<1048576x32xf32, #tpu.memory_space<hbm>> -> memref<512x32xf32, #tpu.memory_space<hbm>>
    %dma_wait3A_231 = arith.constant 0 : i32
    %dma_wait3A_232 = tpu.memref_slice %arg2[%add3A_26, %dma_wait3A_231] : memref<1048576x32xf32, #tpu.memory_space<hbm>> -> memref<512x32xf32, #tpu.memory_space<hbm>>
    tpu.wait_dma2 semaphore(%arg4 : memref<!tpu.dma_semaphore, #tpu.memory_space<semaphore_mem>>) src(%arg3 : memref<512x32xf32, #tpu.memory_space<vmem>>) dst(%dma_wait3A_232 : memref<512x32xf32, #tpu.memory_space<hbm>>)
    %dma_wait3A_233 = arith.constant 0 : i32
    %dma_wait3A_234 = tpu.memref_slice %arg2[%add3A_28, %dma_wait3A_233] : memref<1048576x32xf32, #tpu.memory_space<hbm>> -> memref<512x32xf32, #tpu.memory_space<hbm>>
    %dma_wait3A_235 = arith.constant 0 : i32
    %dma_wait3A_236 = tpu.memref_slice %arg2[%add3A_28, %dma_wait3A_235] : memref<1048576x32xf32, #tpu.memory_space<hbm>> -> memref<512x32xf32, #tpu.memory_space<hbm>>
    tpu.wait_dma2 semaphore(%arg4 : memref<!tpu.dma_semaphore, #tpu.memory_space<semaphore_mem>>) src(%arg3 : memref<512x32xf32, #tpu.memory_space<vmem>>) dst(%dma_wait3A_236 : memref<512x32xf32, #tpu.memory_space<hbm>>)
    %dma_wait3A_237 = arith.constant 0 : i32
    %dma_wait3A_238 = tpu.memref_slice %arg2[%add3A_30, %dma_wait3A_237] : memref<1048576x32xf32, #tpu.memory_space<hbm>> -> memref<512x32xf32, #tpu.memory_space<hbm>>
    %dma_wait3A_239 = arith.constant 0 : i32
    %dma_wait3A_240 = tpu.memref_slice %arg2[%add3A_30, %dma_wait3A_239] : memref<1048576x32xf32, #tpu.memory_space<hbm>> -> memref<512x32xf32, #tpu.memory_space<hbm>>
    tpu.wait_dma2 semaphore(%arg4 : memref<!tpu.dma_semaphore, #tpu.memory_space<semaphore_mem>>) src(%arg3 : memref<512x32xf32, #tpu.memory_space<vmem>>) dst(%dma_wait3A_240 : memref<512x32xf32, #tpu.memory_space<hbm>>)
    %dma_wait3A_241 = arith.constant 0 : i32
    %dma_wait3A_242 = tpu.memref_slice %arg2[%add3A_32, %dma_wait3A_241] : memref<1048576x32xf32, #tpu.memory_space<hbm>> -> memref<512x32xf32, #tpu.memory_space<hbm>>
    %dma_wait3A_243 = arith.constant 0 : i32
    %dma_wait3A_244 = tpu.memref_slice %arg2[%add3A_32, %dma_wait3A_243] : memref<1048576x32xf32, #tpu.memory_space<hbm>> -> memref<512x32xf32, #tpu.memory_space<hbm>>
    tpu.wait_dma2 semaphore(%arg4 : memref<!tpu.dma_semaphore, #tpu.memory_space<semaphore_mem>>) src(%arg3 : memref<512x32xf32, #tpu.memory_space<vmem>>) dst(%dma_wait3A_244 : memref<512x32xf32, #tpu.memory_space<hbm>>)
    %dma_wait3A_245 = arith.constant 0 : i32
    %dma_wait3A_246 = tpu.memref_slice %arg2[%add3A_34, %dma_wait3A_245] : memref<1048576x32xf32, #tpu.memory_space<hbm>> -> memref<512x32xf32, #tpu.memory_space<hbm>>
    %dma_wait3A_247 = arith.constant 0 : i32
    %dma_wait3A_248 = tpu.memref_slice %arg2[%add3A_34, %dma_wait3A_247] : memref<1048576x32xf32, #tpu.memory_space<hbm>> -> memref<512x32xf32, #tpu.memory_space<hbm>>
    tpu.wait_dma2 semaphore(%arg4 : memref<!tpu.dma_semaphore, #tpu.memory_space<semaphore_mem>>) src(%arg3 : memref<512x32xf32, #tpu.memory_space<vmem>>) dst(%dma_wait3A_248 : memref<512x32xf32, #tpu.memory_space<hbm>>)
    %dma_wait3A_249 = arith.constant 0 : i32
    %dma_wait3A_250 = tpu.memref_slice %arg2[%add3A_36, %dma_wait3A_249] : memref<1048576x32xf32, #tpu.memory_space<hbm>> -> memref<512x32xf32, #tpu.memory_space<hbm>>
    %dma_wait3A_251 = arith.constant 0 : i32
    %dma_wait3A_252 = tpu.memref_slice %arg2[%add3A_36, %dma_wait3A_251] : memref<1048576x32xf32, #tpu.memory_space<hbm>> -> memref<512x32xf32, #tpu.memory_space<hbm>>
    tpu.wait_dma2 semaphore(%arg4 : memref<!tpu.dma_semaphore, #tpu.memory_space<semaphore_mem>>) src(%arg3 : memref<512x32xf32, #tpu.memory_space<vmem>>) dst(%dma_wait3A_252 : memref<512x32xf32, #tpu.memory_space<hbm>>)
    %dma_wait3A_253 = arith.constant 0 : i32
    %dma_wait3A_254 = tpu.memref_slice %arg2[%add3A_38, %dma_wait3A_253] : memref<1048576x32xf32, #tpu.memory_space<hbm>> -> memref<512x32xf32, #tpu.memory_space<hbm>>
    %dma_wait3A_255 = arith.constant 0 : i32
    %dma_wait3A_256 = tpu.memref_slice %arg2[%add3A_38, %dma_wait3A_255] : memref<1048576x32xf32, #tpu.memory_space<hbm>> -> memref<512x32xf32, #tpu.memory_space<hbm>>
    tpu.wait_dma2 semaphore(%arg4 : memref<!tpu.dma_semaphore, #tpu.memory_space<semaphore_mem>>) src(%arg3 : memref<512x32xf32, #tpu.memory_space<vmem>>) dst(%dma_wait3A_256 : memref<512x32xf32, #tpu.memory_space<hbm>>)
    %dma_wait3A_257 = arith.constant 0 : i32
    %dma_wait3A_258 = tpu.memref_slice %arg2[%add3A_40, %dma_wait3A_257] : memref<1048576x32xf32, #tpu.memory_space<hbm>> -> memref<512x32xf32, #tpu.memory_space<hbm>>
    %dma_wait3A_259 = arith.constant 0 : i32
    %dma_wait3A_260 = tpu.memref_slice %arg2[%add3A_40, %dma_wait3A_259] : memref<1048576x32xf32, #tpu.memory_space<hbm>> -> memref<512x32xf32, #tpu.memory_space<hbm>>
    tpu.wait_dma2 semaphore(%arg4 : memref<!tpu.dma_semaphore, #tpu.memory_space<semaphore_mem>>) src(%arg3 : memref<512x32xf32, #tpu.memory_space<vmem>>) dst(%dma_wait3A_260 : memref<512x32xf32, #tpu.memory_space<hbm>>)
    %dma_wait3A_261 = arith.constant 0 : i32
    %dma_wait3A_262 = tpu.memref_slice %arg2[%add3A_42, %dma_wait3A_261] : memref<1048576x32xf32, #tpu.memory_space<hbm>> -> memref<512x32xf32, #tpu.memory_space<hbm>>
    %dma_wait3A_263 = arith.constant 0 : i32
    %dma_wait3A_264 = tpu.memref_slice %arg2[%add3A_42, %dma_wait3A_263] : memref<1048576x32xf32, #tpu.memory_space<hbm>> -> memref<512x32xf32, #tpu.memory_space<hbm>>
    tpu.wait_dma2 semaphore(%arg4 : memref<!tpu.dma_semaphore, #tpu.memory_space<semaphore_mem>>) src(%arg3 : memref<512x32xf32, #tpu.memory_space<vmem>>) dst(%dma_wait3A_264 : memref<512x32xf32, #tpu.memory_space<hbm>>)
    %dma_wait3A_265 = arith.constant 0 : i32
    %dma_wait3A_266 = tpu.memref_slice %arg2[%add3A_44, %dma_wait3A_265] : memref<1048576x32xf32, #tpu.memory_space<hbm>> -> memref<512x32xf32, #tpu.memory_space<hbm>>
    %dma_wait3A_267 = arith.constant 0 : i32
    %dma_wait3A_268 = tpu.memref_slice %arg2[%add3A_44, %dma_wait3A_267] : memref<1048576x32xf32, #tpu.memory_space<hbm>> -> memref<512x32xf32, #tpu.memory_space<hbm>>
    tpu.wait_dma2 semaphore(%arg4 : memref<!tpu.dma_semaphore, #tpu.memory_space<semaphore_mem>>) src(%arg3 : memref<512x32xf32, #tpu.memory_space<vmem>>) dst(%dma_wait3A_268 : memref<512x32xf32, #tpu.memory_space<hbm>>)
    %dma_wait3A_269 = arith.constant 0 : i32
    %dma_wait3A_270 = tpu.memref_slice %arg2[%add3A_46, %dma_wait3A_269] : memref<1048576x32xf32, #tpu.memory_space<hbm>> -> memref<512x32xf32, #tpu.memory_space<hbm>>
    %dma_wait3A_271 = arith.constant 0 : i32
    %dma_wait3A_272 = tpu.memref_slice %arg2[%add3A_46, %dma_wait3A_271] : memref<1048576x32xf32, #tpu.memory_space<hbm>> -> memref<512x32xf32, #tpu.memory_space<hbm>>
    tpu.wait_dma2 semaphore(%arg4 : memref<!tpu.dma_semaphore, #tpu.memory_space<semaphore_mem>>) src(%arg3 : memref<512x32xf32, #tpu.memory_space<vmem>>) dst(%dma_wait3A_272 : memref<512x32xf32, #tpu.memory_space<hbm>>)
    %dma_wait3A_273 = arith.constant 0 : i32
    %dma_wait3A_274 = tpu.memref_slice %arg2[%add3A_48, %dma_wait3A_273] : memref<1048576x32xf32, #tpu.memory_space<hbm>> -> memref<512x32xf32, #tpu.memory_space<hbm>>
    %dma_wait3A_275 = arith.constant 0 : i32
    %dma_wait3A_276 = tpu.memref_slice %arg2[%add3A_48, %dma_wait3A_275] : memref<1048576x32xf32, #tpu.memory_space<hbm>> -> memref<512x32xf32, #tpu.memory_space<hbm>>
    tpu.wait_dma2 semaphore(%arg4 : memref<!tpu.dma_semaphore, #tpu.memory_space<semaphore_mem>>) src(%arg3 : memref<512x32xf32, #tpu.memory_space<vmem>>) dst(%dma_wait3A_276 : memref<512x32xf32, #tpu.memory_space<hbm>>)
    %dma_wait3A_277 = arith.constant 0 : i32
    %dma_wait3A_278 = tpu.memref_slice %arg2[%add3A_50, %dma_wait3A_277] : memref<1048576x32xf32, #tpu.memory_space<hbm>> -> memref<512x32xf32, #tpu.memory_space<hbm>>
    %dma_wait3A_279 = arith.constant 0 : i32
    %dma_wait3A_280 = tpu.memref_slice %arg2[%add3A_50, %dma_wait3A_279] : memref<1048576x32xf32, #tpu.memory_space<hbm>> -> memref<512x32xf32, #tpu.memory_space<hbm>>
    tpu.wait_dma2 semaphore(%arg4 : memref<!tpu.dma_semaphore, #tpu.memory_space<semaphore_mem>>) src(%arg3 : memref<512x32xf32, #tpu.memory_space<vmem>>) dst(%dma_wait3A_280 : memref<512x32xf32, #tpu.memory_space<hbm>>)
    %dma_wait3A_281 = arith.constant 0 : i32
    %dma_wait3A_282 = tpu.memref_slice %arg2[%add3A_52, %dma_wait3A_281] : memref<1048576x32xf32, #tpu.memory_space<hbm>> -> memref<512x32xf32, #tpu.memory_space<hbm>>
    %dma_wait3A_283 = arith.constant 0 : i32
    %dma_wait3A_284 = tpu.memref_slice %arg2[%add3A_52, %dma_wait3A_283] : memref<1048576x32xf32, #tpu.memory_space<hbm>> -> memref<512x32xf32, #tpu.memory_space<hbm>>
    tpu.wait_dma2 semaphore(%arg4 : memref<!tpu.dma_semaphore, #tpu.memory_space<semaphore_mem>>) src(%arg3 : memref<512x32xf32, #tpu.memory_space<vmem>>) dst(%dma_wait3A_284 : memref<512x32xf32, #tpu.memory_space<hbm>>)
    %dma_wait3A_285 = arith.constant 0 : i32
    %dma_wait3A_286 = tpu.memref_slice %arg2[%add3A_54, %dma_wait3A_285] : memref<1048576x32xf32, #tpu.memory_space<hbm>> -> memref<512x32xf32, #tpu.memory_space<hbm>>
    %dma_wait3A_287 = arith.constant 0 : i32
    %dma_wait3A_288 = tpu.memref_slice %arg2[%add3A_54, %dma_wait3A_287] : memref<1048576x32xf32, #tpu.memory_space<hbm>> -> memref<512x32xf32, #tpu.memory_space<hbm>>
    tpu.wait_dma2 semaphore(%arg4 : memref<!tpu.dma_semaphore, #tpu.memory_space<semaphore_mem>>) src(%arg3 : memref<512x32xf32, #tpu.memory_space<vmem>>) dst(%dma_wait3A_288 : memref<512x32xf32, #tpu.memory_space<hbm>>)
    %dma_wait3A_289 = arith.constant 0 : i32
    %dma_wait3A_290 = tpu.memref_slice %arg2[%add3A_56, %dma_wait3A_289] : memref<1048576x32xf32, #tpu.memory_space<hbm>> -> memref<512x32xf32, #tpu.memory_space<hbm>>
    %dma_wait3A_291 = arith.constant 0 : i32
    %dma_wait3A_292 = tpu.memref_slice %arg2[%add3A_56, %dma_wait3A_291] : memref<1048576x32xf32, #tpu.memory_space<hbm>> -> memref<512x32xf32, #tpu.memory_space<hbm>>
    tpu.wait_dma2 semaphore(%arg4 : memref<!tpu.dma_semaphore, #tpu.memory_space<semaphore_mem>>) src(%arg3 : memref<512x32xf32, #tpu.memory_space<vmem>>) dst(%dma_wait3A_292 : memref<512x32xf32, #tpu.memory_space<hbm>>)
    %dma_wait3A_293 = arith.constant 0 : i32
    %dma_wait3A_294 = tpu.memref_slice %arg2[%add3A_58, %dma_wait3A_293] : memref<1048576x32xf32, #tpu.memory_space<hbm>> -> memref<512x32xf32, #tpu.memory_space<hbm>>
    %dma_wait3A_295 = arith.constant 0 : i32
    %dma_wait3A_296 = tpu.memref_slice %arg2[%add3A_58, %dma_wait3A_295] : memref<1048576x32xf32, #tpu.memory_space<hbm>> -> memref<512x32xf32, #tpu.memory_space<hbm>>
    tpu.wait_dma2 semaphore(%arg4 : memref<!tpu.dma_semaphore, #tpu.memory_space<semaphore_mem>>) src(%arg3 : memref<512x32xf32, #tpu.memory_space<vmem>>) dst(%dma_wait3A_296 : memref<512x32xf32, #tpu.memory_space<hbm>>)
    %dma_wait3A_297 = arith.constant 0 : i32
    %dma_wait3A_298 = tpu.memref_slice %arg2[%add3A_60, %dma_wait3A_297] : memref<1048576x32xf32, #tpu.memory_space<hbm>> -> memref<512x32xf32, #tpu.memory_space<hbm>>
    %dma_wait3A_299 = arith.constant 0 : i32
    %dma_wait3A_300 = tpu.memref_slice %arg2[%add3A_60, %dma_wait3A_299] : memref<1048576x32xf32, #tpu.memory_space<hbm>> -> memref<512x32xf32, #tpu.memory_space<hbm>>
    tpu.wait_dma2 semaphore(%arg4 : memref<!tpu.dma_semaphore, #tpu.memory_space<semaphore_mem>>) src(%arg3 : memref<512x32xf32, #tpu.memory_space<vmem>>) dst(%dma_wait3A_300 : memref<512x32xf32, #tpu.memory_space<hbm>>)
    %dma_wait3A_301 = arith.constant 0 : i32
    %dma_wait3A_302 = tpu.memref_slice %arg2[%add3A_62, %dma_wait3A_301] : memref<1048576x32xf32, #tpu.memory_space<hbm>> -> memref<512x32xf32, #tpu.memory_space<hbm>>
    %dma_wait3A_303 = arith.constant 0 : i32
    %dma_wait3A_304 = tpu.memref_slice %arg2[%add3A_62, %dma_wait3A_303] : memref<1048576x32xf32, #tpu.memory_space<hbm>> -> memref<512x32xf32, #tpu.memory_space<hbm>>
    tpu.wait_dma2 semaphore(%arg4 : memref<!tpu.dma_semaphore, #tpu.memory_space<semaphore_mem>>) src(%arg3 : memref<512x32xf32, #tpu.memory_space<vmem>>) dst(%dma_wait3A_304 : memref<512x32xf32, #tpu.memory_space<hbm>>)
    %dma_wait3A_305 = arith.constant 0 : i32
    %dma_wait3A_306 = tpu.memref_slice %arg2[%add3A_64, %dma_wait3A_305] : memref<1048576x32xf32, #tpu.memory_space<hbm>> -> memref<512x32xf32, #tpu.memory_space<hbm>>
    %dma_wait3A_307 = arith.constant 0 : i32
    %dma_wait3A_308 = tpu.memref_slice %arg2[%add3A_64, %dma_wait3A_307] : memref<1048576x32xf32, #tpu.memory_space<hbm>> -> memref<512x32xf32, #tpu.memory_space<hbm>>
    tpu.wait_dma2 semaphore(%arg4 : memref<!tpu.dma_semaphore, #tpu.memory_space<semaphore_mem>>) src(%arg3 : memref<512x32xf32, #tpu.memory_space<vmem>>) dst(%dma_wait3A_308 : memref<512x32xf32, #tpu.memory_space<hbm>>)
    %dma_wait3A_309 = arith.constant 0 : i32
    %dma_wait3A_310 = tpu.memref_slice %arg2[%add3A_66, %dma_wait3A_309] : memref<1048576x32xf32, #tpu.memory_space<hbm>> -> memref<512x32xf32, #tpu.memory_space<hbm>>
    %dma_wait3A_311 = arith.constant 0 : i32
    %dma_wait3A_312 = tpu.memref_slice %arg2[%add3A_66, %dma_wait3A_311] : memref<1048576x32xf32, #tpu.memory_space<hbm>> -> memref<512x32xf32, #tpu.memory_space<hbm>>
    tpu.wait_dma2 semaphore(%arg4 : memref<!tpu.dma_semaphore, #tpu.memory_space<semaphore_mem>>) src(%arg3 : memref<512x32xf32, #tpu.memory_space<vmem>>) dst(%dma_wait3A_312 : memref<512x32xf32, #tpu.memory_space<hbm>>)
    %dma_wait3A_313 = arith.constant 0 : i32
    %dma_wait3A_314 = tpu.memref_slice %arg2[%add3A_68, %dma_wait3A_313] : memref<1048576x32xf32, #tpu.memory_space<hbm>> -> memref<512x32xf32, #tpu.memory_space<hbm>>
    %dma_wait3A_315 = arith.constant 0 : i32
    %dma_wait3A_316 = tpu.memref_slice %arg2[%add3A_68, %dma_wait3A_315] : memref<1048576x32xf32, #tpu.memory_space<hbm>> -> memref<512x32xf32, #tpu.memory_space<hbm>>
    tpu.wait_dma2 semaphore(%arg4 : memref<!tpu.dma_semaphore, #tpu.memory_space<semaphore_mem>>) src(%arg3 : memref<512x32xf32, #tpu.memory_space<vmem>>) dst(%dma_wait3A_316 : memref<512x32xf32, #tpu.memory_space<hbm>>)
    %dma_wait3A_317 = arith.constant 0 : i32
    %dma_wait3A_318 = tpu.memref_slice %arg2[%add3A_70, %dma_wait3A_317] : memref<1048576x32xf32, #tpu.memory_space<hbm>> -> memref<512x32xf32, #tpu.memory_space<hbm>>
    %dma_wait3A_319 = arith.constant 0 : i32
    %dma_wait3A_320 = tpu.memref_slice %arg2[%add3A_70, %dma_wait3A_319] : memref<1048576x32xf32, #tpu.memory_space<hbm>> -> memref<512x32xf32, #tpu.memory_space<hbm>>
    tpu.wait_dma2 semaphore(%arg4 : memref<!tpu.dma_semaphore, #tpu.memory_space<semaphore_mem>>) src(%arg3 : memref<512x32xf32, #tpu.memory_space<vmem>>) dst(%dma_wait3A_320 : memref<512x32xf32, #tpu.memory_space<hbm>>)
    %dma_wait3A_321 = arith.constant 0 : i32
    %dma_wait3A_322 = tpu.memref_slice %arg2[%add3A_72, %dma_wait3A_321] : memref<1048576x32xf32, #tpu.memory_space<hbm>> -> memref<512x32xf32, #tpu.memory_space<hbm>>
    %dma_wait3A_323 = arith.constant 0 : i32
    %dma_wait3A_324 = tpu.memref_slice %arg2[%add3A_72, %dma_wait3A_323] : memref<1048576x32xf32, #tpu.memory_space<hbm>> -> memref<512x32xf32, #tpu.memory_space<hbm>>
    tpu.wait_dma2 semaphore(%arg4 : memref<!tpu.dma_semaphore, #tpu.memory_space<semaphore_mem>>) src(%arg3 : memref<512x32xf32, #tpu.memory_space<vmem>>) dst(%dma_wait3A_324 : memref<512x32xf32, #tpu.memory_space<hbm>>)
    %dma_wait3A_325 = arith.constant 0 : i32
    %dma_wait3A_326 = tpu.memref_slice %arg2[%add3A_74, %dma_wait3A_325] : memref<1048576x32xf32, #tpu.memory_space<hbm>> -> memref<512x32xf32, #tpu.memory_space<hbm>>
    %dma_wait3A_327 = arith.constant 0 : i32
    %dma_wait3A_328 = tpu.memref_slice %arg2[%add3A_74, %dma_wait3A_327] : memref<1048576x32xf32, #tpu.memory_space<hbm>> -> memref<512x32xf32, #tpu.memory_space<hbm>>
    tpu.wait_dma2 semaphore(%arg4 : memref<!tpu.dma_semaphore, #tpu.memory_space<semaphore_mem>>) src(%arg3 : memref<512x32xf32, #tpu.memory_space<vmem>>) dst(%dma_wait3A_328 : memref<512x32xf32, #tpu.memory_space<hbm>>)
    return
  }
}

module attributes {stable_mosaic.version = 14 : i64} {
  func.func @_copy_body(%arg0: i32, %arg1: memref<16384x32xf32, #tpu.memory_space<vmem>>, %arg2: memref<1048576x32xf32, #tpu.memory_space<any>>, %arg3: memref<16384x32xf32, #tpu.memory_space<vmem>>) attributes {dimension_semantics = [#tpu.dimension_semantics<arbitrary>], iteration_bounds = array<i64: 32>, scalar_prefetch = 0 : i64, scratch_operands = 0 : i64, tpu.core_type = #tpu.core_type<tc>, window_params = [{transform_indices = @transform_0, window_bounds = array<i64: 16384, 32>}, {}, {transform_indices = @transform_2, window_bounds = array<i64: 16384, 32>}]} {
    %get3A = arith.constant 0 : index
    %get3A_0 = arith.constant 0 : index
    %get3A_1 = vector.load %arg1[%get3A, %get3A_0] : memref<16384x32xf32, #tpu.memory_space<vmem>>, vector<16384x32xf32>
    %swap3A = arith.constant 0 : index
    %swap3A_2 = arith.constant 0 : index
    %swap3A_3 = vector.load %arg3[%swap3A, %swap3A_2] : memref<16384x32xf32, #tpu.memory_space<vmem>>, vector<16384x32xf32>
    tpu.vector_store %arg3[%swap3A, %swap3A_2], %get3A_1 {strides = array<i32>} : memref<16384x32xf32, #tpu.memory_space<vmem>>, vector<16384x32xf32>,
    return
  }
  func.func @transform_0(%arg0: i32) -> (i32, i32) {
    %c0_i32 = arith.constant 0 : i32
    %c0_i32_0 = arith.constant 0 : i32
    return %arg0, %c0_i32 : i32, i32
  }
  func.func @transform_2(%arg0: i32) -> (i32, i32) {
    %c0_i32 = arith.constant 0 : i32
    %c0_i32_0 = arith.constant 0 : i32
    return %arg0, %c0_i32 : i32, i32
  }
}

</mosaic_0001>

<sc_bundles>
// kernel: kernel.4.cloned.1.call-start
scs
__scs_entry_jumppad:
0x0: {  	(pc) =	sbr.rel $0x88, $3  }
0x1: {  	(tag) =	ssettag $0x0;
	lr =	simm.s32 $0x1  }
0x2: {  	[smem:$0x3FA0] =	sst lr;
	_ =	strace $0xD0000000  }
0x3: {  	_ = 	snop  }
0x4: {  	_ = 	snop  }
0x5: {  	_ = 	snop  }
0x6: {  	_ = 	snop  }
0x7: {  	_ = 	snop  }
__scs_overlays_trampoline_lowered:
0x8: {  	[smem:$0x3FAF] =	sst s0  }
0x9: {  	[smem:$0x3FB0] =	sst s1  }
0xa: {  	[smem:$0x3FB1] =	sst s2  }
0xb: {  	[smem:$0x3FB2] =	sst s3  }
0xc: {  	[smem:$0x3FB3] =	sst s4  }
0xd: {  	[smem:$0x3FB4] =	sst s5  }
0xe: {  	[smem:$0x3FB5] =	sst s6  }
0xf: {  	[smem:$0x3FB6] =	sst s7  }
0x10: {  	[smem:$0x3FB7] =	sst s8  }
0x11: {  	[smem:$0x3FB8] =	sst s9;
	s0 =	simm.s32 @!p0 $0x0  }
0x12: {  	s1 =	sld [smem:$0x3F9E];
	s0 =	simm.s32 @p0 $0x1  }
0x13: {  	[smem:$0x3FB9] =	sst s0;
	s0 =	simm.s32 @!p1 $0x0  }
0x14: {  	s2 =	sld [smem:$0x3F9D];
	s0 =	simm.s32 @p1 $0x1  }
0x15: {  	[smem:$0x3FBA] =	sst s0;
	s0 =	simm.s32 @!p2 $0x0  }
0x16: {  	s3 =	sld [smem:$0x3FDB];
	s0 =	simm.s32 @p2 $0x1  }
0x17: {  	s4 =	simm.s32 $0x1BF5;
	[smem:$0x3FBC] =	sst s0  }
0x18: {  	s0 =	sld [smem:$0x3F9F];
	_ =	swait.ge [sflag:s4], $0x0  }
0x19: {  	s7 =	sld [smem:$0x3FA0]  }
0x1a: {  	s8 =	sadd.s32 $0xFFFFE003, lr  }
0x1b: {  	s9 =	sadd.s32 $0xFFFFFEF7, lr;
	s5 =	simm.s32 $0xFFFFFFFF;
	p2 =	slt.u32 s8, $0xFFFFF086  }
0x1c: {  	p1 =	slt.u32 s9, $0xF7A;
	s5 =	simm.s32 @!p2 $0x0  }
0x1d: {  	s5 =	simm.s32 @p1 $0x1;
	p0 =	seq.s32 s7, s2  }
0x1e: {  	s7 =	smul.u32 @!p0 $0xF7A, s2;
	p2 =	seq.s32 @!p0 s5, $0x0  }
0x1f: {  	s9 =	smul.u32 $0xF7A, s1;
	s8 =	simm.s32 @!p0 $0x1BF5;
	p2 =	por !p2, p0  }
0x20: {  	[sflag:s8] =	ssyncset.s32 @!p0 $0xFFFFF086;
	s6 =	sadd.s32 @!p0 s3, s7;
	s7 =	simm.s32 @!p0 $0x108  }
0x21: {  	s3 =	sadd.s32 s3, s9;
	s6 =	sadd.s32 @!p0 $0x88, s6;
	s7 =	simm.s32 @p2 $0x1082  }
0x22: {  	[simem:s7], [sflag:s8] =	dma.local @!p0 [hbm:s6], $0xF7A  }
0x23: {  	s9 =	sor.u32 $0xD0000000, s2;
	s6 =	simm.s32 $0x108;
	_ =	swait.ge @!p0 [sflag:s8], $0x0  }
0x24: {  	s3 =	sadd.s32 $0x88, s3;
	s6 =	simm.s32 @!p1 $0x1082;
	[sflag:s4] =	ssyncset.s32 $0xFFFFF086  }
0x25: {  	[simem:s6], [sflag:s4] =	dma.local [hbm:s3], $0xF7A  }
0x26: {  	[smem:$0x3FA0] =	sst s1;
	(tag) =	ssettag s2;
	_ =	strace s9  }
0x27: {  	s1 =	sld [smem:$0x3FB0]  }
0x28: {  	s2 =	sld [smem:$0x3FB1]  }
0x29: {  	s4 =	sld [smem:$0x3FB3]  }
0x2a: {  	p0 =	seq.s32 s5, $0x0;
	s5 =	sld [smem:$0x3FB4]  }
0x2b: {  	s6 =	sld [smem:$0x3FB5]  }
0x2c: {  	s7 =	sld [smem:$0x3FB6]  }
0x2d: {  	s3 =	simm.s32 $0x108;
	s8 =	sld [smem:$0x3FB7]  }
0x2e: {  	s3 =	simm.s32 @!p0 $0x1082;
	s9 =	sld [smem:$0x3FB8]  }
0x2f: {  	lr =	sadd.s32 s0, s3;
	s0 =	sld [smem:$0x3FAF]  }
0x30: {  	s3 =	sld [smem:$0x3FB2]  }
0x31: {  	[smem:$0x3FBB] =	sst s10  }
0x32: {  	s10 =	sld [smem:$0x3FB9];
	_ =	sdelay $0x3  }
0x33: {  	p0 =	seq.s32 s10, $0x1;
	s10 =	sld [smem:$0x3FBB];
	_ =	sdelay $0x3  }
0x34: {  	[smem:$0x3FBB] =	sst s10  }
0x35: {  	s10 =	sld [smem:$0x3FBA];
	_ =	sdelay $0x3  }
0x36: {  	p1 =	seq.s32 s10, $0x1;
	s10 =	sld [smem:$0x3FBB];
	_ =	sdelay $0x3  }
0x37: {  	[smem:$0x3FBB] =	sst s10  }
0x38: {  	s10 =	sld [smem:$0x3FBC]  }
0x39: {  	_ = 	snop;
	(pc) =	sbr.ind lr, $3  }
0x3a: {  	_ = 	snop  }
0x3b: {  	_ = 	snop  }
0x3c: {  	p2 =	seq.s32 s10, $0x1;
	s10 =	sld [smem:$0x3FBB]  }
0x3d: {  	_ =	shalt  }
0x3e: {  	_ =	shalt  }
0x3f: {  	_ =	shalt  }
0x40: {  	_ =	shalt  }
0x41: {  	_ =	shalt  }
0x42: {  	_ =	shalt  }
0x43: {  	_ =	shalt  }
0x44: {  	_ =	shalt  }
0x45: {  	_ =	shalt  }
0x46: {  	_ =	shalt  }
0x47: {  	_ =	shalt  }
0x48: {  	_ =	shalt  }
0x49: {  	_ =	shalt  }
0x4a: {  	_ =	shalt  }
0x4b: {  	_ =	shalt  }
0x4c: {  	_ =	shalt  }
0x4d: {  	_ =	shalt  }
0x4e: {  	_ =	shalt  }
0x4f: {  	_ =	shalt  }
0x50: {  	_ =	shalt  }
0x51: {  	_ =	shalt  }
0x52: {  	_ =	shalt  }
0x53: {  	_ =	shalt  }
0x54: {  	_ =	shalt  }
0x55: {  	_ =	shalt  }
0x56: {  	_ =	shalt  }
0x57: {  	_ =	shalt  }
0x58: {  	_ =	shalt  }
0x59: {  	_ =	shalt  }
0x5a: {  	_ =	shalt  }
0x5b: {  	_ =	shalt  }
0x5c: {  	_ =	shalt  }
0x5d: {  	_ =	shalt  }
0x5e: {  	_ =	shalt  }
0x5f: {  	_ =	shalt  }
0x60: {  	_ =	shalt  }
0x61: {  	_ =	shalt  }
0x62: {  	_ =	shalt  }
0x63: {  	_ =	shalt  }
0x64: {  	_ =	shalt  }
0x65: {  	_ =	shalt  }
0x66: {  	_ =	shalt  }
0x67: {  	_ =	shalt  }
0x68: {  	_ =	shalt  }
0x69: {  	_ =	shalt  }
0x6a: {  	_ =	shalt  }
0x6b: {  	_ =	shalt  }
0x6c: {  	_ =	shalt  }
0x6d: {  	_ =	shalt  }
0x6e: {  	_ =	shalt  }
0x6f: {  	_ =	shalt  }
0x70: {  	_ =	shalt  }
0x71: {  	_ =	shalt  }
0x72: {  	_ =	shalt  }
0x73: {  	_ =	shalt  }
0x74: {  	_ =	shalt  }
0x75: {  	_ =	shalt  }
0x76: {  	_ =	shalt  }
0x77: {  	_ =	shalt  }
0x78: {  	_ =	shalt  }
0x79: {  	_ =	shalt  }
0x7a: {  	_ =	shalt  }
0x7b: {  	_ =	shalt  }
0x7c: {  	_ =	shalt  }
0x7d: {  	_ =	shalt  }
0x7e: {  	_ =	shalt  }
0x7f: {  	_ =	shalt  }
0x80: {  	_ =	shalt  }
0x81: {  	_ =	shalt  }
0x82: {  	_ =	shalt  }
0x83: {  	_ =	shalt  }
0x84: {  	_ =	shalt  }
0x85: {  	_ =	shalt  }
0x86: {  	_ =	shalt  }
0x87: {  	_ =	shalt  }
.Lfunc_end0:
.L_simem_size_0:
called_computation_lowered:
.L_overlay_start_0:
0x88: {  	s2 =	sld [smem:$0x3FD9]  }
0x89: {  	s3 =	sld [smem:$0x3FFE];
	_ =	sdelay $0x1  }
0x8a: {  	s1 =	srdreg.scid  }
0x8b: {  	s0 =	sand.u32 $0x1, s1  }
0x8c: {  	s16 =	sshll.u32 s0, $0xA;
	s2 =	sadd.s32 s3, s2  }
0x8d: {  	s2 =	sadd.s32 s2, s16  }
0x8e: {  	[smem:$0x3FC7] =	sst s2  }
0x8f: {  	_ = 	snop  }
0x90: {  	(tm) =	ssettm $0x1  }
0x91: {  	s17 =	sld [smem:$0x3FFB];
	_ =	sdelay $0x3  }
0x92: {  	_ =	strace s17  }
0x93: {  	s2 =	sld [smem:$0x3FFC];
	_ =	sdelay $0x3  }
0x94: {  	_ =	strace s2  }
0x95: {  	s2 =	sld [smem:$0x3FFD];
	_ =	sdelay $0x3  }
0x96: {  	_ =	strace s2  }
0x97: {  	_ =	strace $0x8FFFFFFF  }
0x98: {  	s18 =	sld [smem:$0x3FDB];
	_ =	sdelay $0x1  }
0x99: {  	s19 =	simm.s32 $_scs_section_size  }
0x9a: {  	s4 =	simm.s32 $_size__tile_overlayer_lowered;
	s5 =	simm.s32 $_tile_overlayer_lowered  }
0x9b: {  	s22 =	simm.s32 $0x1BFF;
	s21 =	sshll.u32 s5, $0x1;
	s2 =	sadd.s32 s19, s18  }
0x9c: {  	s6 =	simm.s32 $0x0;
	s20 =	sshll.u32 s4, $0x1;
	s4 =	sadd.s32 s21, s2  }
0x9d: {  	[timem:s6], [sflag:s22] =	dma.local [hbm:s4], s20  }
0x9e: {  	_ =	swait.ge [sflag:s22], s20  }
0x9f: {  	s3 =	ssub.s32 $0x0, s20;
	[sflag:s22] =	ssyncset.done $0x0  }
0xa0: {  	[sflag:s22] =	ssyncadd.s32 s3;
	_ =	sdelay $0x1  }
0xa1: {  	s23 =	simm.s32 $0x1B8B  }
0xa2: {  	_ =	swait.ge [sflag:s23], $0x1  }
0xa3: {  	[sflag:s23] =	ssyncset.done $0x0  }
0xa4: {  	s25 =	simm.s32 $0x1B8E;
	s24 =	sld [smem:$0x3FFE];
	[sflag:s23] =	ssyncadd.s32 $0xFFFFFFFF  }
0xa5: {  	s26 =	simm.s32 $execute0_lowered;
	[smem:$0x3FD2] =	sst s25  }
0xa6: {  	s4 =	sshll.u32 s26, $0x1;
	_ =	strace $0x80000046;
	[dreg:$0x1] =	wrdreg $0xFFFFFFFF  }
0xa7: {  	s28 =	simm.s32 $_size_execute0_lowered;
	s2 =	sadd.s32 s2, s4;
	[dreg:$0x0] =	wrdreg $0x0  }
0xa8: {  	s4 =	sshll.u32 s28, $0x1;
	[dreg:$0x2] =	wrdreg s2  }
0xa9: {  	[dreg:$0x3] =	wrdreg s4  }
0xaa: {  	[dreg:$0x4] =	wrdreg $0xC0  }
0xab: {  	_ =	task [dreg:s6], $0x5FFFF  }
0xac: {  	[dreg:$0x1] =	wrdreg $0xFFFFFFFF  }
0xad: {  	[dreg:$0x0] =	wrdreg $0x60  }
0xae: {  	[dreg:$0x2] =	wrdreg s24  }
0xaf: {  	[dreg:$0x3] =	wrdreg $0x9  }
0xb0: {  	_ =	task.clear_ibuf [dreg:s6], $0x4FFFF;
	_ =	strace $0x90000046  }
0xb1: {  	s29 =	simm.s32 $0x9;
	_ =	strace $0x80000048  }
0xb2: {  	_ =	swait.ge [sflag:s29], $0x1  }
0xb3: {  	[sflag:s29] =	ssyncadd.s32 $0xFFFFFFFF  }
0xb4: {  	_ =	strace $0x90000048  }
0xb5: {  	_ =	sfence  }
0xb6: {  	s30 =	sld [smem:$0x0];
	_ =	sdelay $0x2  }
0xb7: {  	s31 =	sshll.u32 s1, $0xD;
	s1 =	sshrl.u32 s1, $0x2  }
0xb8: {  	s3 =	sand.u32 $0x4000, s31;
	s1 =	sadd.s32 s1, s30  }
0xb9: {  	s0 =	sor.u32 s3, s0;
	s1 =	sshll.u32 s1, $0x11  }
0xba: {  	s0 =	sor.u32 s1, s0  }
0xbb: {  	s0 =	sadd.s32 $0x8F2B, s0  }
0xbc: {  	[sflag:s0] =	ssyncadd.remote.s32 $0x1  }
0xbd: {  	_ =	sfence.sel $0xFFFF  }
0xbe: {  	[dreg:$0x0] =	wrdreg $0xFFFFFFFF;
	(pc) =	sbr.abs _section_cstart, $3  }
0xbf: {  	[dreg:$0x1] =	wrdreg $0xFFFFFFFF  }
0xc0: {  	_ =	task.clear_ibuf [dreg:s6], $0x2FFFF;
	_ =	strace $0x9FFFFFFF  }
0xc1: {  	(tm) =	ssettm $0x7FFFFFFF  }
tec
execute0_lowered:
.L_overlay_start_1:
0x0: {  	(tag) =	ssettag $0x1  }
0x1: {  	s1 =	srdreg.scid  }
0x2: {  	s0 =	rddreg [dreg:$0x0];
	s3 =	stileid.u32;
	s1 =	sand.u32 $0x1, s1  }
0x3: {  	s2 =	simm.s32 $0x0;
	s3 =	sshll.u32 s3, $0x13;
	s4 =	sshll.u32 s1, $0x12  }
0x4: {  	[smem:$0x7FF] =	sst s2;
	s3 =	sor.u32 s4, s3  }
0x5: {  	_ =	strace $0x80000047;
	s4 =	sadd.s32 s3, s0  }
0x6: {  	s0 =	sadd.s32 $0x800400, s4;
	s26 =	sadd.s32 $0x802400, s4  }
0x7: {  	s3 =	sadd.s32 $0x804400, s4;
	s5 =	sadd.s32 $0x806400, s4  }
0x8: {  	s6 =	sadd.s32 $0x808400, s4;
	s7 =	sadd.s32 $0x80A400, s4  }
0x9: {  	s8 =	sadd.s32 $0x80C400, s4;
	s9 =	sadd.s32 $0x80E400, s4  }
0xa: {  	s11 =	sadd.s32 $0x810400, s4;
	s12 =	sadd.s32 $0x812400, s4  }
0xb: {  	s10 =	ssub.s32 $0x2, s1;
	s13 =	sadd.s32 $0x814400, s4;
	s14 =	sadd.s32 $0x816400, s4  }
0xc: {  	s15 =	sadd.s32 $0x818400, s4;
	s16 =	sadd.s32 $0x81A400, s4;
	[dreg:$0x2] =	wrdreg s0  }
0xd: {  	s17 =	sadd.s32 $0x81C400, s4;
	s18 =	sadd.s32 $0x81E400, s4;
	[dreg:$0x3] =	wrdreg s26  }
0xe: {  	s19 =	sadd.s32 $0x820400, s4;
	s20 =	sadd.s32 $0x822400, s4;
	[dreg:$0x4] =	wrdreg s3  }
0xf: {  	s21 =	sadd.s32 $0x824400, s4;
	s22 =	sadd.s32 $0x826400, s4;
	[dreg:$0x5] =	wrdreg s5  }
0x10: {  	s23 =	sadd.s32 $0x828400, s4;
	s24 =	sadd.s32 $0x82A400, s4;
	[dreg:$0x6] =	wrdreg s6  }
0x11: {  	s25 =	sadd.s32 $0x82C400, s4;
	s28 =	sadd.s32 $0x830400, s4;
	[dreg:$0x7] =	wrdreg s7  }
0x12: {  	s29 =	sadd.s32 $0x832400, s4;
	s30 =	sadd.s32 $0x834400, s4;
	[dreg:$0x8] =	wrdreg s8  }
0x13: {  	s31 =	sadd.s32 $0x836400, s4;
	s1 =	sadd.s32 $0x83A400, s4;
	[dreg:$0x9] =	wrdreg s9  }
0x14: {  	s26 =	sadd.s32 $0x82E400, s4;
	s5 =	sshrl.u32 s10, $0x1;
	s0 =	sadd.s32 $0x838400, s4  }
0x15: {  	s3 =	sadd.s32 $0x83C400, s4;
	s4 =	sadd.s32 $0x83E400, s4;
	s5 =	ssub.s32 s10, s5  }
0x16: {  	v0 =	vimm.f32 $0.0e+00;
	s6 =	simm.s32 $0x1;
	s7 =	simm.s32 $0x0;
	s5 =	smax.u32 s5, $0x1  }
.LBB2_1:
0x17: {  	s8 =	simm.s32 $0x200;
	s9 =	simm.s32 $0x0  }
.LBB2_2:
0x18: {  	p0 =	sne.s32 s8, $0x3FE00;
	[tilespmem:s9+$0x0] =	vst v0;
	s10 =	smov.u32 s8;
	s8 =	sadd.s32 $0x200, s8  }
.Ltmp0:
0x19: {  	[tilespmem:s9+$0x10] =	vst v0;
	(pc) =	sbr.rel @p0 .LBB2_2-.Ltmp0, $2  }
0x1a: {  	_ =	sdelay $0x2  }
0x1b: {  	s9 =	sshra.s32 s10, $0x2  }
0x1c: {  	[tilespmem:s9+$0x0] =	vst v0  }
0x1d: {  	[tilespmem:s9+$0x10] =	vst v0;
	s8 =	rddreg [dreg:$0x2]  }
0x1e: {  	[hbm4b:s8+s2] =	stream.linear.scatter [tilespmem:s2], [sflag:$0x1], $0x10000, $0x38;
	[tilespmem:$0x10000] =	vst v63  }
0x1f: {  	s10 =	rddreg [dreg:$0x3]  }
0x20: {  	[hbm4b:s10+s2] =	stream.linear.scatter [tilespmem:s2], [sflag:$0x1], $0x10000, $0x38;
	[tilespmem:$0x10000] =	vst v63  }
0x21: {  	s9 =	rddreg [dreg:$0x4]  }
0x22: {  	[hbm4b:s9+s2] =	stream.linear.scatter [tilespmem:s2], [sflag:$0x1], $0x10000, $0x38;
	[tilespmem:$0x10000] =	vst v63  }
0x23: {  	s10 =	rddreg [dreg:$0x5]  }
0x24: {  	[hbm4b:s10+s2] =	stream.linear.scatter [tilespmem:s2], [sflag:$0x1], $0x10000, $0x38;
	[tilespmem:$0x10000] =	vst v63  }
0x25: {  	s9 =	rddreg [dreg:$0x6]  }
0x26: {  	[hbm4b:s9+s2] =	stream.linear.scatter [tilespmem:s2], [sflag:$0x1], $0x10000, $0x38;
	[tilespmem:$0x10000] =	vst v63  }
0x27: {  	s10 =	rddreg [dreg:$0x7]  }
0x28: {  	[hbm4b:s10+s2] =	stream.linear.scatter [tilespmem:s2], [sflag:$0x1], $0x10000, $0x38;
	[tilespmem:$0x10000] =	vst v63  }
0x29: {  	s9 =	rddreg [dreg:$0x8]  }
0x2a: {  	[hbm4b:s9+s2] =	stream.linear.scatter [tilespmem:s2], [sflag:$0x1], $0x10000, $0x38;
	[tilespmem:$0x10000] =	vst v63  }
0x2b: {  	s10 =	rddreg [dreg:$0x9]  }
0x2c: {  	[hbm4b:s10+s2] =	stream.linear.scatter [tilespmem:s2], [sflag:$0x1], $0x10000, $0x38;
	[tilespmem:$0x10000] =	vst v63  }
0x2d: {  	_ = 	snop  }
0x2e: {  	[hbm4b:s11+s2] =	stream.linear.scatter [tilespmem:s2], [sflag:$0x1], $0x10000, $0x38;
	[tilespmem:$0x10000] =	vst v63  }
0x2f: {  	_ = 	snop  }
0x30: {  	[hbm4b:s12+s2] =	stream.linear.scatter [tilespmem:s2], [sflag:$0x1], $0x10000, $0x38;
	[tilespmem:$0x10000] =	vst v63  }
0x31: {  	_ = 	snop  }
0x32: {  	[hbm4b:s13+s2] =	stream.linear.scatter [tilespmem:s2], [sflag:$0x1], $0x10000, $0x38;
	[tilespmem:$0x10000] =	vst v63  }
0x33: {  	_ = 	snop  }
0x34: {  	[hbm4b:s14+s2] =	stream.linear.scatter [tilespmem:s2], [sflag:$0x1], $0x10000, $0x38;
	[tilespmem:$0x10000] =	vst v63  }
0x35: {  	_ = 	snop  }
0x36: {  	[hbm4b:s15+s2] =	stream.linear.scatter [tilespmem:s2], [sflag:$0x1], $0x10000, $0x38;
	[tilespmem:$0x10000] =	vst v63  }
0x37: {  	_ = 	snop  }
0x38: {  	[hbm4b:s16+s2] =	stream.linear.scatter [tilespmem:s2], [sflag:$0x1], $0x10000, $0x38;
	[tilespmem:$0x10000] =	vst v63  }
0x39: {  	_ = 	snop  }
0x3a: {  	[hbm4b:s17+s2] =	stream.linear.scatter [tilespmem:s2], [sflag:$0x1], $0x10000, $0x38;
	[tilespmem:$0x10000] =	vst v63  }
0x3b: {  	_ = 	snop  }
0x3c: {  	[hbm4b:s18+s2] =	stream.linear.scatter [tilespmem:s2], [sflag:$0x1], $0x10000, $0x38;
	[tilespmem:$0x10000] =	vst v63  }
0x3d: {  	_ = 	snop  }
0x3e: {  	[hbm4b:s19+s2] =	stream.linear.scatter [tilespmem:s2], [sflag:$0x1], $0x10000, $0x38;
	[tilespmem:$0x10000] =	vst v63  }
0x3f: {  	_ = 	snop  }
0x40: {  	[hbm4b:s20+s2] =	stream.linear.scatter [tilespmem:s2], [sflag:$0x1], $0x10000, $0x38;
	[tilespmem:$0x10000] =	vst v63  }
0x41: {  	_ = 	snop  }
0x42: {  	[hbm4b:s21+s2] =	stream.linear.scatter [tilespmem:s2], [sflag:$0x1], $0x10000, $0x38;
	[tilespmem:$0x10000] =	vst v63  }
0x43: {  	_ = 	snop  }
0x44: {  	[hbm4b:s22+s2] =	stream.linear.scatter [tilespmem:s2], [sflag:$0x1], $0x10000, $0x38;
	[tilespmem:$0x10000] =	vst v63  }
0x45: {  	_ = 	snop  }
0x46: {  	[hbm4b:s23+s2] =	stream.linear.scatter [tilespmem:s2], [sflag:$0x1], $0x10000, $0x38;
	[tilespmem:$0x10000] =	vst v63  }
0x47: {  	_ = 	snop  }
0x48: {  	[hbm4b:s24+s2] =	stream.linear.scatter [tilespmem:s2], [sflag:$0x1], $0x10000, $0x38;
	[tilespmem:$0x10000] =	vst v63  }
0x49: {  	_ = 	snop  }
0x4a: {  	[hbm4b:s25+s2] =	stream.linear.scatter [tilespmem:s2], [sflag:$0x1], $0x10000, $0x38;
	[tilespmem:$0x10000] =	vst v63  }
0x4b: {  	_ = 	snop  }
0x4c: {  	[hbm4b:s26+s2] =	stream.linear.scatter [tilespmem:s2], [sflag:$0x1], $0x10000, $0x38;
	[tilespmem:$0x10000] =	vst v63  }
0x4d: {  	_ = 	snop  }
0x4e: {  	[hbm4b:s28+s2] =	stream.linear.scatter [tilespmem:s2], [sflag:$0x1], $0x10000, $0x38;
	[tilespmem:$0x10000] =	vst v63  }
0x4f: {  	_ = 	snop  }
0x50: {  	[hbm4b:s29+s2] =	stream.linear.scatter [tilespmem:s2], [sflag:$0x1], $0x10000, $0x38;
	[tilespmem:$0x10000] =	vst v63  }
0x51: {  	_ = 	snop  }
0x52: {  	[hbm4b:s30+s2] =	stream.linear.scatter [tilespmem:s2], [sflag:$0x1], $0x10000, $0x38;
	[tilespmem:$0x10000] =	vst v63  }
0x53: {  	_ = 	snop  }
0x54: {  	[hbm4b:s31+s2] =	stream.linear.scatter [tilespmem:s2], [sflag:$0x1], $0x10000, $0x38;
	[tilespmem:$0x10000] =	vst v63  }
0x55: {  	_ = 	snop  }
0x56: {  	[hbm4b:s0+s2] =	stream.linear.scatter [tilespmem:s2], [sflag:$0x1], $0x10000, $0x38;
	[tilespmem:$0x10000] =	vst v63  }
0x57: {  	_ = 	snop  }
0x58: {  	[hbm4b:s1+s2] =	stream.linear.scatter [tilespmem:s2], [sflag:$0x1], $0x10000, $0x38;
	[tilespmem:$0x10000] =	vst v63  }
0x59: {  	_ = 	snop  }
0x5a: {  	[hbm4b:s3+s2] =	stream.linear.scatter [tilespmem:s2], [sflag:$0x1], $0x10000, $0x38;
	[tilespmem:$0x10000] =	vst v63  }
0x5b: {  	_ = 	snop  }
0x5c: {  	[hbm4b:s4+s2] =	stream.linear.scatter [tilespmem:s2], [sflag:$0x1], $0x10000, $0x38;
	[tilespmem:$0x10000] =	vst v63  }
0x5d: {  	_ =	swait.ge [sflag:s6], $0x10000  }
0x5e: {  	[sflag:s6] =	ssyncset.done $0x0  }
0x5f: {  	[sflag:s6] =	ssyncadd.s32 $0xFFFF0000  }
0x60: {  	_ =	swait.ge [sflag:s6], $0x10000  }
0x61: {  	[sflag:s6] =	ssyncset.done $0x0  }
0x62: {  	[sflag:s6] =	ssyncadd.s32 $0xFFFF0000  }
0x63: {  	_ =	swait.ge [sflag:s6], $0x10000  }
0x64: {  	[sflag:s6] =	ssyncset.done $0x0  }
0x65: {  	[sflag:s6] =	ssyncadd.s32 $0xFFFF0000  }
0x66: {  	_ =	swait.ge [sflag:s6], $0x10000  }
0x67: {  	[sflag:s6] =	ssyncset.done $0x0  }
0x68: {  	[sflag:s6] =	ssyncadd.s32 $0xFFFF0000  }
0x69: {  	_ =	swait.ge [sflag:s6], $0x10000  }
0x6a: {  	[sflag:s6] =	ssyncset.done $0x0  }
0x6b: {  	[sflag:s6] =	ssyncadd.s32 $0xFFFF0000  }
0x6c: {  	_ =	swait.ge [sflag:s6], $0x10000  }
0x6d: {  	[sflag:s6] =	ssyncset.done $0x0  }
0x6e: {  	[sflag:s6] =	ssyncadd.s32 $0xFFFF0000  }
0x6f: {  	_ =	swait.ge [sflag:s6], $0x10000  }
0x70: {  	[sflag:s6] =	ssyncset.done $0x0  }
0x71: {  	[sflag:s6] =	ssyncadd.s32 $0xFFFF0000  }
0x72: {  	_ =	swait.ge [sflag:s6], $0x10000  }
0x73: {  	[sflag:s6] =	ssyncset.done $0x0  }
0x74: {  	[sflag:s6] =	ssyncadd.s32 $0xFFFF0000  }
0x75: {  	_ =	swait.ge [sflag:s6], $0x10000  }
0x76: {  	[sflag:s6] =	ssyncset.done $0x0  }
0x77: {  	[sflag:s6] =	ssyncadd.s32 $0xFFFF0000  }
0x78: {  	_ =	swait.ge [sflag:s6], $0x10000  }
0x79: {  	[sflag:s6] =	ssyncset.done $0x0  }
0x7a: {  	[sflag:s6] =	ssyncadd.s32 $0xFFFF0000  }
0x7b: {  	_ =	swait.ge [sflag:s6], $0x10000  }
0x7c: {  	[sflag:s6] =	ssyncset.done $0x0  }
0x7d: {  	[sflag:s6] =	ssyncadd.s32 $0xFFFF0000  }
0x7e: {  	_ =	swait.ge [sflag:s6], $0x10000  }
0x7f: {  	[sflag:s6] =	ssyncset.done $0x0  }
0x80: {  	[sflag:s6] =	ssyncadd.s32 $0xFFFF0000  }
0x81: {  	_ =	swait.ge [sflag:s6], $0x10000  }
0x82: {  	[sflag:s6] =	ssyncset.done $0x0  }
0x83: {  	[sflag:s6] =	ssyncadd.s32 $0xFFFF0000  }
0x84: {  	_ =	swait.ge [sflag:s6], $0x10000  }
0x85: {  	[sflag:s6] =	ssyncset.done $0x0  }
0x86: {  	[sflag:s6] =	ssyncadd.s32 $0xFFFF0000  }
0x87: {  	_ =	swait.ge [sflag:s6], $0x10000  }
0x88: {  	[sflag:s6] =	ssyncset.done $0x0  }
0x89: {  	[sflag:s6] =	ssyncadd.s32 $0xFFFF0000  }
0x8a: {  	_ =	swait.ge [sflag:s6], $0x10000  }
0x8b: {  	[sflag:s6] =	ssyncset.done $0x0  }
0x8c: {  	[sflag:s6] =	ssyncadd.s32 $0xFFFF0000  }
0x8d: {  	_ =	swait.ge [sflag:s6], $0x10000  }
0x8e: {  	[sflag:s6] =	ssyncset.done $0x0  }
0x8f: {  	[sflag:s6] =	ssyncadd.s32 $0xFFFF0000  }
0x90: {  	_ =	swait.ge [sflag:s6], $0x10000  }
0x91: {  	[sflag:s6] =	ssyncset.done $0x0  }
0x92: {  	[sflag:s6] =	ssyncadd.s32 $0xFFFF0000  }
0x93: {  	_ =	swait.ge [sflag:s6], $0x10000  }
0x94: {  	[sflag:s6] =	ssyncset.done $0x0  }
0x95: {  	[sflag:s6] =	ssyncadd.s32 $0xFFFF0000  }
0x96: {  	_ =	swait.ge [sflag:s6], $0x10000  }
0x97: {  	[sflag:s6] =	ssyncset.done $0x0  }
0x98: {  	[sflag:s6] =	ssyncadd.s32 $0xFFFF0000  }
0x99: {  	_ =	swait.ge [sflag:s6], $0x10000  }
0x9a: {  	[sflag:s6] =	ssyncset.done $0x0  }
0x9b: {  	[sflag:s6] =	ssyncadd.s32 $0xFFFF0000  }
0x9c: {  	_ =	swait.ge [sflag:s6], $0x10000  }
0x9d: {  	[sflag:s6] =	ssyncset.done $0x0  }
0x9e: {  	[sflag:s6] =	ssyncadd.s32 $0xFFFF0000  }
0x9f: {  	_ =	swait.ge [sflag:s6], $0x10000  }
0xa0: {  	[sflag:s6] =	ssyncset.done $0x0  }
0xa1: {  	[sflag:s6] =	ssyncadd.s32 $0xFFFF0000  }
0xa2: {  	_ =	swait.ge [sflag:s6], $0x10000  }
0xa3: {  	[sflag:s6] =	ssyncset.done $0x0  }
0xa4: {  	[sflag:s6] =	ssyncadd.s32 $0xFFFF0000  }
0xa5: {  	_ =	swait.ge [sflag:s6], $0x10000  }
0xa6: {  	[sflag:s6] =	ssyncset.done $0x0  }
0xa7: {  	[sflag:s6] =	ssyncadd.s32 $0xFFFF0000  }
0xa8: {  	_ =	swait.ge [sflag:s6], $0x10000  }
0xa9: {  	[sflag:s6] =	ssyncset.done $0x0  }
0xaa: {  	[sflag:s6] =	ssyncadd.s32 $0xFFFF0000  }
0xab: {  	_ =	swait.ge [sflag:s6], $0x10000  }
0xac: {  	[sflag:s6] =	ssyncset.done $0x0  }
0xad: {  	[sflag:s6] =	ssyncadd.s32 $0xFFFF0000  }
0xae: {  	_ =	swait.ge [sflag:s6], $0x10000  }
0xaf: {  	[sflag:s6] =	ssyncset.done $0x0  }
0xb0: {  	[sflag:s6] =	ssyncadd.s32 $0xFFFF0000  }
0xb1: {  	_ =	swait.ge [sflag:s6], $0x10000  }
0xb2: {  	[sflag:s6] =	ssyncset.done $0x0  }
0xb3: {  	[sflag:s6] =	ssyncadd.s32 $0xFFFF0000  }
0xb4: {  	_ =	swait.ge [sflag:s6], $0x10000  }
0xb5: {  	[sflag:s6] =	ssyncset.done $0x0  }
0xb6: {  	s7 =	sadd.s32 $0x1, s7;
	[sflag:s6] =	ssyncadd.s32 $0xFFFF0000  }
0xb7: {  	p0 =	sne.s32 s7, s5;
	_ =	swait.ge [sflag:s6], $0x10000  }
.Ltmp1:
0xb8: {  	[sflag:s6] =	ssyncset.done $0x0;
	(pc) =	sbr.rel @p0 .LBB2_1-.Ltmp1, $4  }
0xb9: {  	[sflag:s6] =	ssyncadd.s32 $0xFFFF0000  }
0xba: {  	_ =	swait.ge [sflag:s6], $0x10000  }
0xbb: {  	[sflag:s6] =	ssyncset.done $0x0  }
0xbc: {  	[sflag:s6] =	ssyncadd.s32 $0xFFFF0000  }
0xbd: {  	_ =	sfence.sel $0x180000  }
0xbe: {  	[bflag:$0x0] =	sbarrier.arrive $0xFFFF  }
0xbf: {  	_ =	strace $0x90000047  }
0xc0: {  	s0 =	stileid.u32;
	[bflag:$0x2] =	sbarrier.arrive $0xFFFF  }
0xc1: {  	p0 =	sne.s32 s0, $0x0;
	s0 =	rddreg [dreg:$0x1]  }
0xc2: {  	s0 =	sadd.s32 @!p0 $0x100000, s0  }
0xc3: {  	[sflag:s0] =	ssyncadd.tile.s32 @!p0 $0x1;
	_ =	shalt  }
.Lfunc_end2:
_tile_overlayer_lowered:
.L_overlay_start_2:
0xc4: {  	(tag) =	ssettag $0x2  }
0xc5: {  	s0 =	rddreg [dreg:$0x0];
	s2 =	stileid.u32  }
0xc6: {  	s1 =	rddreg [dreg:$0x1];
	p0 =	sne.s32 s2, $0x0  }
0xc7: {  	s3 =	rddreg [dreg:$0x2];
	[bflag:$0x3] =	sbarrier.arrive $0xFFFF;
	s2 =	simm.s32 @!p0 $0x1C02  }
0xc8: {  	[timem:s3], [sflag:s2] =	dma.local @!p0 [hbm:s0], s1  }
0xc9: {  	s0 =	simm.s32 @!p0 $0x2  }
0xca: {  	_ =	swait.ge @!p0 [sflag:s0], s1  }
0xcb: {  	s1 =	ssub.s32 @!p0 $0x0, s1;
	[sflag:s0] =	ssyncset.done @!p0 $0x0  }
0xcc: {  	[sflag:s0] =	ssyncadd.s32 @!p0 s1  }
0xcd: {  	[bflag:$0x3] =	sbarrier.arrive $0xFFFF  }
0xce: {  	_ =	shalt  }

</sc_bundles>
